<compile_context>
chip_gen: v7x
topology: tpu7x:2x2x1
jax: 0.10.2.dev20260603
libtpu: 0.0.44.dev20260713+nightly
codegen_flags: <defaults>
</compile_context>

<pallas_src>
import dataclasses
import functools

import jax
import jax.numpy as jnp
from jax import lax
from jax.experimental import pallas as pl
from jax.experimental.pallas import tpu as pltpu
from jax.experimental.pallas import tpu_sc as plsc

ROWS = 64
COLS = 32768
NUM_CORES = 2
NUM_SUBCORES = 16
LANES = 16
NUM_WORKERS = NUM_CORES * NUM_SUBCORES
SC_ROWS = NUM_WORKERS
TC_ROWS = ROWS - SC_ROWS
INT_MAX = 2**31 - 1

NACC = 8
PIECES = (2048, 2048, 4096, 8192, 16384)
assert sum(PIECES) == COLS


def _compiler_params():
    cp = pltpu.CompilerParams()
    if "needs_layout_passes" in pltpu.CompilerParams.__dataclass_fields__:
        cp = dataclasses.replace(cp, needs_layout_passes=False)
    return cp


def _scan_piece(buf, base_chunk, n_chunks, carry):

    def body(i, c):
        vals, chunks = c
        new_vals, new_chunks = [], []
        for j in range(NACC):
            ch = base_chunk + i * NACC + j
            v = buf[pl.ds(ch * LANES, LANES)]
            m = v > vals[j]
            new_vals.append(jnp.where(m, v, vals[j]))
            new_chunks.append(
                jnp.where(m, jnp.full((LANES,), ch, jnp.int32), chunks[j]))
        return tuple(new_vals), tuple(new_chunks)

    return lax.fori_loop(0, n_chunks // NACC, body, carry, unroll=1)


def _finish_row(carry):
    vals, chunks = carry
    best_val, best_chunk = vals[0], chunks[0]
    for j in range(1, NACC):
        take = (vals[j] > best_val) | ((vals[j] == best_val)
                                       & (chunks[j] < best_chunk))
        best_val = jnp.where(take, vals[j], best_val)
        best_chunk = jnp.where(take, chunks[j], best_chunk)
    lane = lax.iota(jnp.int32, LANES)
    idx = best_chunk * LANES + lane
    row_max = jnp.max(best_val)
    cand = jnp.where(best_val == row_max, idx,
                     jnp.full((LANES,), INT_MAX, jnp.int32))
    return jnp.min(cand)


def _fresh_carry():
    neg_inf = jnp.float32(float("-inf"))
    return (
        tuple(jnp.full((LANES,), neg_inf, jnp.float32) for _ in range(NACC)),
        tuple(jnp.zeros((LANES,), jnp.int32) for _ in range(NACC)),
    )


def _sc_argmax(x):
    mesh = plsc.VectorSubcoreMesh(core_axis_name="c", subcore_axis_name="s")

    @functools.partial(
        pl.kernel,
        out_type=jax.ShapeDtypeStruct((SC_ROWS, LANES), jnp.int32),
        mesh=mesh,
        compiler_params=_compiler_params(),
        scratch_types=[
            pltpu.VMEM((COLS,), jnp.float32),
            pltpu.VMEM((LANES,), jnp.int32),
        ] + [pltpu.SemaphoreType.DMA] * len(PIECES),
    )
    def argmax_kernel(x_hbm, out_hbm, row_v, res_v, *sems):
        wid = lax.axis_index("c") * NUM_SUBCORES + lax.axis_index("s")

        copies = []
        off = 0
        for p, sz in enumerate(PIECES):
            copies.append(pltpu.async_copy(
                x_hbm.at[wid, pl.ds(off, sz)],
                row_v.at[pl.ds(off, sz)], sems[p]))
            off += sz

        carry = _fresh_carry()
        off = 0
        for p, sz in enumerate(PIECES):
            copies[p].wait()
            carry = _scan_piece(row_v, off // LANES, sz // LANES, carry)
            off += sz
        r = _finish_row(carry)

        lane = lax.iota(jnp.int32, LANES)
        res_v[...] = jnp.where(lane == 0, jnp.full((LANES,), r, jnp.int32),
                               jnp.zeros((LANES,), jnp.int32))
        pltpu.sync_copy(res_v, out_hbm.at[wid])

    return argmax_kernel(x)


def _tc_argmax_kernel(x_ref, out_ref):
    x = x_ref[...]
    row_max = jnp.max(x, axis=1, keepdims=True)
    ii = lax.broadcasted_iota(jnp.int32, x.shape, 1)
    cand = jnp.where(x == row_max, ii, INT_MAX)
    out_ref[...] = jnp.min(cand, axis=1)


def _tc_argmax(x):
    return pl.pallas_call(
        _tc_argmax_kernel,
        grid=(1,),
        in_specs=[pl.BlockSpec((TC_ROWS, COLS), lambda i: (1, 0))],
        out_specs=pl.BlockSpec((TC_ROWS,), lambda i: (0,)),
        out_shape=jax.ShapeDtypeStruct((TC_ROWS,), jnp.int32),
    )(x)


def _combine_kernel(sc_ref, tc_ref, out_ref):
    col = lax.broadcasted_iota(jnp.int32, (SC_ROWS, LANES), 1)
    sc = jnp.sum(jnp.where(col == 0, sc_ref[...], 0), axis=1)
    out_ref[pl.ds(0, SC_ROWS)] = sc
    out_ref[pl.ds(SC_ROWS, TC_ROWS)] = tc_ref[...]


def _combine(sc_out, tc_out):
    return pl.pallas_call(
        _combine_kernel,
        out_shape=jax.ShapeDtypeStruct((ROWS,), jnp.int32),
    )(sc_out, tc_out)


def kernel(x):
    sc_out = _sc_argmax(x)
    tc_out = _tc_argmax(x)
    return _combine(sc_out, tc_out)

# --- scband reference (transcript-rebuilt; emitter-appended) ---
"""Pipeline reference for scband-argmax-6433861009584 (READ-ONLY COPY).

The authoritative reference and input builder live on the scoring server;
editing this copy changes nothing except your own understanding.
"""

import jax, jax.numpy as jnp
import numpy as np

def setup_inputs(seed: int = 0) -> dict:
    key = jax.random.key(seed)
    x = jax.random.normal(key, (64, 32768), dtype=jnp.float32)
    return {"x": x}

def reference(x):
    # Keras Argmax layer: K.argmax(x, axis=self.axis) with axis=-1
    return jnp.argmax(x, axis=-1)

if __name__ == "__main__":
    import jax
    _d = setup_inputs()
    print(jax.jit(kernel)(*tuple(_d.values())))

</pallas_src>

<mosaic_0001>
#map = affine_map<(d0, d1) -> (0, 0)>
module attributes {stable_mosaic.version = 14 : i64} {
  func.func @argmax_kernel(%arg0: i32, %arg1: i32, %arg2: memref<64x32768xf32, #tpu.memory_space<hbm>>, %arg3: memref<32x16xi32, #tpu.memory_space<hbm>>, %arg4: memref<32768xf32, #tpu.memory_space<vmem>>, %arg5: memref<16xi32, #tpu.memory_space<vmem>>, %arg6: memref<!tpu.dma_semaphore, #tpu.memory_space<semaphore_mem>>, %arg7: memref<!tpu.dma_semaphore, #tpu.memory_space<semaphore_mem>>, %arg8: memref<!tpu.dma_semaphore, #tpu.memory_space<semaphore_mem>>, %arg9: memref<!tpu.dma_semaphore, #tpu.memory_space<semaphore_mem>>, %arg10: memref<!tpu.dma_semaphore, #tpu.memory_space<semaphore_mem>>) attributes {dimension_semantics = [#tpu.dimension_semantics<core_parallel>, #tpu.dimension_semantics<subcore_parallel>], iteration_bounds = array<i64: 2, 16>, scalar_prefetch = 0 : i64, scratch_operands = 7 : i64, tpu.core_type = #tpu.core_type<sc_vector_subcore>, window_params = [{transform_indices = #map}, {transform_indices = #map}]} {
    %mul3A = arith.constant 16 : i32
    %mul3A_0 = arith.muli %arg0, %mul3A : i32
    %add3A = arith.addi %mul3A_0, %arg1 : i32
    %dma_start3A = arith.constant 0 : i32
    %dma_start3A_1 = tpu.memref_slice %arg4[%dma_start3A] : memref<32768xf32, #tpu.memory_space<vmem>> -> memref<2048xf32, #tpu.memory_space<vmem>>
    %dma_start3A_2 = arith.constant 0 : i32
    %dma_start3A_3 = tpu.memref_slice %arg2[%add3A, %dma_start3A_2] : memref<64x32768xf32, #tpu.memory_space<hbm>> -> memref<1x2048xf32, #tpu.memory_space<hbm>>
    %dma_start3A_4 = tpu.memref_squeeze %dma_start3A_3 : memref<1x2048xf32, #tpu.memory_space<hbm>> -> memref<2048xf32, #tpu.memory_space<hbm>>
    %dma_start3A_5 = arith.constant 0 : i32
    %dma_start3A_6 = tpu.memref_slice %arg4[%dma_start3A_5] : memref<32768xf32, #tpu.memory_space<vmem>> -> memref<2048xf32, #tpu.memory_space<vmem>>
    %dma_start3A_7 = arith.constant 0 : i32
    %dma_start3A_8 = tpu.memref_slice %arg2[%add3A, %dma_start3A_7] : memref<64x32768xf32, #tpu.memory_space<hbm>> -> memref<1x2048xf32, #tpu.memory_space<hbm>>
    %dma_start3A_9 = tpu.memref_squeeze %dma_start3A_8 : memref<1x2048xf32, #tpu.memory_space<hbm>> -> memref<2048xf32, #tpu.memory_space<hbm>>
    tpu.enqueue_dma source(%dma_start3A_9 : memref<2048xf32, #tpu.memory_space<hbm>>) target(%dma_start3A_6 : memref<2048xf32, #tpu.memory_space<vmem>>) target_semaphore(%arg6 : memref<!tpu.dma_semaphore, #tpu.memory_space<semaphore_mem>>)
    %dma_start3A_10 = arith.constant 2048 : i32
    %dma_start3A_11 = tpu.memref_slice %arg4[%dma_start3A_10] : memref<32768xf32, #tpu.memory_space<vmem>> -> memref<2048xf32, #tpu.memory_space<vmem>>
    %dma_start3A_12 = arith.constant 2048 : i32
    %dma_start3A_13 = tpu.memref_slice %arg2[%add3A, %dma_start3A_12] : memref<64x32768xf32, #tpu.memory_space<hbm>> -> memref<1x2048xf32, #tpu.memory_space<hbm>>
    %dma_start3A_14 = tpu.memref_squeeze %dma_start3A_13 : memref<1x2048xf32, #tpu.memory_space<hbm>> -> memref<2048xf32, #tpu.memory_space<hbm>>
    %dma_start3A_15 = arith.constant 2048 : i32
    %dma_start3A_16 = tpu.memref_slice %arg4[%dma_start3A_15] : memref<32768xf32, #tpu.memory_space<vmem>> -> memref<2048xf32, #tpu.memory_space<vmem>>
    %dma_start3A_17 = arith.constant 2048 : i32
    %dma_start3A_18 = tpu.memref_slice %arg2[%add3A, %dma_start3A_17] : memref<64x32768xf32, #tpu.memory_space<hbm>> -> memref<1x2048xf32, #tpu.memory_space<hbm>>
    %dma_start3A_19 = tpu.memref_squeeze %dma_start3A_18 : memref<1x2048xf32, #tpu.memory_space<hbm>> -> memref<2048xf32, #tpu.memory_space<hbm>>
    tpu.enqueue_dma source(%dma_start3A_19 : memref<2048xf32, #tpu.memory_space<hbm>>) target(%dma_start3A_16 : memref<2048xf32, #tpu.memory_space<vmem>>) target_semaphore(%arg7 : memref<!tpu.dma_semaphore, #tpu.memory_space<semaphore_mem>>)
    %dma_start3A_20 = arith.constant 4096 : i32
    %dma_start3A_21 = tpu.memref_slice %arg4[%dma_start3A_20] : memref<32768xf32, #tpu.memory_space<vmem>> -> memref<4096xf32, #tpu.memory_space<vmem>>
    %dma_start3A_22 = arith.constant 4096 : i32
    %dma_start3A_23 = tpu.memref_slice %arg2[%add3A, %dma_start3A_22] : memref<64x32768xf32, #tpu.memory_space<hbm>> -> memref<1x4096xf32, #tpu.memory_space<hbm>>
    %dma_start3A_24 = tpu.memref_squeeze %dma_start3A_23 : memref<1x4096xf32, #tpu.memory_space<hbm>> -> memref<4096xf32, #tpu.memory_space<hbm>>
    %dma_start3A_25 = arith.constant 4096 : i32
    %dma_start3A_26 = tpu.memref_slice %arg4[%dma_start3A_25] : memref<32768xf32, #tpu.memory_space<vmem>> -> memref<4096xf32, #tpu.memory_space<vmem>>
    %dma_start3A_27 = arith.constant 4096 : i32
    %dma_start3A_28 = tpu.memref_slice %arg2[%add3A, %dma_start3A_27] : memref<64x32768xf32, #tpu.memory_space<hbm>> -> memref<1x4096xf32, #tpu.memory_space<hbm>>
    %dma_start3A_29 = tpu.memref_squeeze %dma_start3A_28 : memref<1x4096xf32, #tpu.memory_space<hbm>> -> memref<4096xf32, #tpu.memory_space<hbm>>
    tpu.enqueue_dma source(%dma_start3A_29 : memref<4096xf32, #tpu.memory_space<hbm>>) target(%dma_start3A_26 : memref<4096xf32, #tpu.memory_space<vmem>>) target_semaphore(%arg8 : memref<!tpu.dma_semaphore, #tpu.memory_space<semaphore_mem>>)
    %dma_start3A_30 = arith.constant 8192 : i32
    %dma_start3A_31 = tpu.memref_slice %arg4[%dma_start3A_30] : memref<32768xf32, #tpu.memory_space<vmem>> -> memref<8192xf32, #tpu.memory_space<vmem>>
    %dma_start3A_32 = arith.constant 8192 : i32
    %dma_start3A_33 = tpu.memref_slice %arg2[%add3A, %dma_start3A_32] : memref<64x32768xf32, #tpu.memory_space<hbm>> -> memref<1x8192xf32, #tpu.memory_space<hbm>>
    %dma_start3A_34 = tpu.memref_squeeze %dma_start3A_33 : memref<1x8192xf32, #tpu.memory_space<hbm>> -> memref<8192xf32, #tpu.memory_space<hbm>>
    %dma_start3A_35 = arith.constant 8192 : i32
    %dma_start3A_36 = tpu.memref_slice %arg4[%dma_start3A_35] : memref<32768xf32, #tpu.memory_space<vmem>> -> memref<8192xf32, #tpu.memory_space<vmem>>
    %dma_start3A_37 = arith.constant 8192 : i32
    %dma_start3A_38 = tpu.memref_slice %arg2[%add3A, %dma_start3A_37] : memref<64x32768xf32, #tpu.memory_space<hbm>> -> memref<1x8192xf32, #tpu.memory_space<hbm>>
    %dma_start3A_39 = tpu.memref_squeeze %dma_start3A_38 : memref<1x8192xf32, #tpu.memory_space<hbm>> -> memref<8192xf32, #tpu.memory_space<hbm>>
    tpu.enqueue_dma source(%dma_start3A_39 : memref<8192xf32, #tpu.memory_space<hbm>>) target(%dma_start3A_36 : memref<8192xf32, #tpu.memory_space<vmem>>) target_semaphore(%arg9 : memref<!tpu.dma_semaphore, #tpu.memory_space<semaphore_mem>>)
    %dma_start3A_40 = arith.constant 16384 : i32
    %dma_start3A_41 = tpu.memref_slice %arg4[%dma_start3A_40] : memref<32768xf32, #tpu.memory_space<vmem>> -> memref<16384xf32, #tpu.memory_space<vmem>>
    %dma_start3A_42 = arith.constant 16384 : i32
    %dma_start3A_43 = tpu.memref_slice %arg2[%add3A, %dma_start3A_42] : memref<64x32768xf32, #tpu.memory_space<hbm>> -> memref<1x16384xf32, #tpu.memory_space<hbm>>
    %dma_start3A_44 = tpu.memref_squeeze %dma_start3A_43 : memref<1x16384xf32, #tpu.memory_space<hbm>> -> memref<16384xf32, #tpu.memory_space<hbm>>
    %dma_start3A_45 = arith.constant 16384 : i32
    %dma_start3A_46 = tpu.memref_slice %arg4[%dma_start3A_45] : memref<32768xf32, #tpu.memory_space<vmem>> -> memref<16384xf32, #tpu.memory_space<vmem>>
    %dma_start3A_47 = arith.constant 16384 : i32
    %dma_start3A_48 = tpu.memref_slice %arg2[%add3A, %dma_start3A_47] : memref<64x32768xf32, #tpu.memory_space<hbm>> -> memref<1x16384xf32, #tpu.memory_space<hbm>>
    %dma_start3A_49 = tpu.memref_squeeze %dma_start3A_48 : memref<1x16384xf32, #tpu.memory_space<hbm>> -> memref<16384xf32, #tpu.memory_space<hbm>>
    tpu.enqueue_dma source(%dma_start3A_49 : memref<16384xf32, #tpu.memory_space<hbm>>) target(%dma_start3A_46 : memref<16384xf32, #tpu.memory_space<vmem>>) target_semaphore(%arg10 : memref<!tpu.dma_semaphore, #tpu.memory_space<semaphore_mem>>)
    %broadcast_in_dim3A = arith.constant 0xFF800000 : f32
    %broadcast_in_dim3A_50 = vector.broadcast %broadcast_in_dim3A : f32 to vector<16xf32>
    %broadcast_in_dim3A_51 = arith.constant 0xFF800000 : f32
    %broadcast_in_dim3A_52 = vector.broadcast %broadcast_in_dim3A_51 : f32 to vector<16xf32>
    %broadcast_in_dim3A_53 = arith.constant 0xFF800000 : f32
    %broadcast_in_dim3A_54 = vector.broadcast %broadcast_in_dim3A_53 : f32 to vector<16xf32>
    %broadcast_in_dim3A_55 = arith.constant 0xFF800000 : f32
    %broadcast_in_dim3A_56 = vector.broadcast %broadcast_in_dim3A_55 : f32 to vector<16xf32>
    %broadcast_in_dim3A_57 = arith.constant 0xFF800000 : f32
    %broadcast_in_dim3A_58 = vector.broadcast %broadcast_in_dim3A_57 : f32 to vector<16xf32>
    %broadcast_in_dim3A_59 = arith.constant 0xFF800000 : f32
    %broadcast_in_dim3A_60 = vector.broadcast %broadcast_in_dim3A_59 : f32 to vector<16xf32>
    %broadcast_in_dim3A_61 = arith.constant 0xFF800000 : f32
    %broadcast_in_dim3A_62 = vector.broadcast %broadcast_in_dim3A_61 : f32 to vector<16xf32>
    %broadcast_in_dim3A_63 = arith.constant 0xFF800000 : f32
    %broadcast_in_dim3A_64 = vector.broadcast %broadcast_in_dim3A_63 : f32 to vector<16xf32>
    %broadcast_in_dim3A_65 = arith.constant 0 : i32
    %broadcast_in_dim3A_66 = vector.broadcast %broadcast_in_dim3A_65 : i32 to vector<16xi32>
    %broadcast_in_dim3A_67 = arith.constant 0 : i32
    %broadcast_in_dim3A_68 = vector.broadcast %broadcast_in_dim3A_67 : i32 to vector<16xi32>
    %broadcast_in_dim3A_69 = arith.constant 0 : i32
    %broadcast_in_dim3A_70 = vector.broadcast %broadcast_in_dim3A_69 : i32 to vector<16xi32>
    %broadcast_in_dim3A_71 = arith.constant 0 : i32
    %broadcast_in_dim3A_72 = vector.broadcast %broadcast_in_dim3A_71 : i32 to vector<16xi32>
    %broadcast_in_dim3A_73 = arith.constant 0 : i32
    %broadcast_in_dim3A_74 = vector.broadcast %broadcast_in_dim3A_73 : i32 to vector<16xi32>
    %broadcast_in_dim3A_75 = arith.constant 0 : i32
    %broadcast_in_dim3A_76 = vector.broadcast %broadcast_in_dim3A_75 : i32 to vector<16xi32>
    %broadcast_in_dim3A_77 = arith.constant 0 : i32
    %broadcast_in_dim3A_78 = vector.broadcast %broadcast_in_dim3A_77 : i32 to vector<16xi32>
    %broadcast_in_dim3A_79 = arith.constant 0 : i32
    %broadcast_in_dim3A_80 = vector.broadcast %broadcast_in_dim3A_79 : i32 to vector<16xi32>
    %dma_wait3A = arith.constant 0 : i32
    %dma_wait3A_81 = tpu.memref_slice %arg4[%dma_wait3A] : memref<32768xf32, #tpu.memory_space<vmem>> -> memref<2048xf32, #tpu.memory_space<vmem>>
    %dma_wait3A_82 = arith.constant 0 : i32
    %dma_wait3A_83 = tpu.memref_slice %arg2[%add3A, %dma_wait3A_82] : memref<64x32768xf32, #tpu.memory_space<hbm>> -> memref<1x2048xf32, #tpu.memory_space<hbm>>
    %dma_wait3A_84 = tpu.memref_squeeze %dma_wait3A_83 : memref<1x2048xf32, #tpu.memory_space<hbm>> -> memref<2048xf32, #tpu.memory_space<hbm>>
    %dma_wait3A_85 = arith.constant 0 : i32
    %dma_wait3A_86 = tpu.memref_slice %arg4[%dma_wait3A_85] : memref<32768xf32, #tpu.memory_space<vmem>> -> memref<2048xf32, #tpu.memory_space<vmem>>
    %dma_wait3A_87 = arith.constant 0 : i32
    %dma_wait3A_88 = tpu.memref_slice %arg2[%add3A, %dma_wait3A_87] : memref<64x32768xf32, #tpu.memory_space<hbm>> -> memref<1x2048xf32, #tpu.memory_space<hbm>>
    %dma_wait3A_89 = tpu.memref_squeeze %dma_wait3A_88 : memref<1x2048xf32, #tpu.memory_space<hbm>> -> memref<2048xf32, #tpu.memory_space<hbm>>
    tpu.wait_dma2 semaphore(%arg6 : memref<!tpu.dma_semaphore, #tpu.memory_space<semaphore_mem>>) src(%dma_wait3A_89 : memref<2048xf32, #tpu.memory_space<hbm>>) dst(%dma_wait3A_86 : memref<2048xf32, #tpu.memory_space<vmem>>)
    %scan3A = arith.constant 0 : i32
    %scan3A_90 = arith.constant 16 : i32
    %scan3A_91 = arith.addi %scan3A, %scan3A_90 : i32
    %scan3A_92 = arith.constant 1 : i32
    %scan3A_93:16 = scf.for %scan3A_230 = %scan3A to %scan3A_91 step %scan3A_92 iter_args(%scan3A_231 = %broadcast_in_dim3A_50, %scan3A_232 = %broadcast_in_dim3A_52, %scan3A_233 = %broadcast_in_dim3A_54, %scan3A_234 = %broadcast_in_dim3A_56, %scan3A_235 = %broadcast_in_dim3A_58, %scan3A_236 = %broadcast_in_dim3A_60, %scan3A_237 = %broadcast_in_dim3A_62, %scan3A_238 = %broadcast_in_dim3A_64, %scan3A_239 = %broadcast_in_dim3A_66, %scan3A_240 = %broadcast_in_dim3A_68, %scan3A_241 = %broadcast_in_dim3A_70, %scan3A_242 = %broadcast_in_dim3A_72, %scan3A_243 = %broadcast_in_dim3A_74, %scan3A_244 = %broadcast_in_dim3A_76, %scan3A_245 = %broadcast_in_dim3A_78, %scan3A_246 = %broadcast_in_dim3A_80) -> (vector<16xf32>, vector<16xf32>, vector<16xf32>, vector<16xf32>, vector<16xf32>, vector<16xf32>, vector<16xf32>, vector<16xf32>, vector<16xi32>, vector<16xi32>, vector<16xi32>, vector<16xi32>, vector<16xi32>, vector<16xi32>, vector<16xi32>, vector<16xi32>)  : i32 {
      %mul3A_247 = arith.constant 8 : i32
      %mul3A_248 = arith.muli %scan3A_230, %mul3A_247 : i32
      %add3A_249 = arith.constant 0 : i32
      %add3A_250 = arith.addi %add3A_249, %mul3A_248 : i32
      %add3A_251 = arith.constant 0 : i32
      %add3A_252 = arith.addi %add3A_250, %add3A_251 : i32
      %mul3A_253 = arith.constant 16 : i32
      %mul3A_254 = arith.muli %add3A_252, %mul3A_253 : i32
      %get3A = arith.index_cast %mul3A_254 : i32 to index
      %get3A_255 = tpu.vector_load %arg4[%get3A] {strides = array<i32>} : memref<32768xf32, #tpu.memory_space<vmem>>, vector<16xf32>,
      %gt3A_256 = arith.cmpf ogt, %get3A_255, %scan3A_231 : vector<16xf32>
      %select_n3A_257 = arith.select %gt3A_256, %get3A_255, %scan3A_231 : vector<16xi1>, vector<16xf32>
      %broadcast_in_dim3A_258 = vector.broadcast %add3A_252 : i32 to vector<16xi32>
      %select_n3A_259 = arith.select %gt3A_256, %broadcast_in_dim3A_258, %scan3A_239 : vector<16xi1>, vector<16xi32>
      %mul3A_260 = arith.constant 8 : i32
      %mul3A_261 = arith.muli %scan3A_230, %mul3A_260 : i32
      %add3A_262 = arith.constant 0 : i32
      %add3A_263 = arith.addi %add3A_262, %mul3A_261 : i32
      %add3A_264 = arith.constant 1 : i32
      %add3A_265 = arith.addi %add3A_263, %add3A_264 : i32
      %mul3A_266 = arith.constant 16 : i32
      %mul3A_267 = arith.muli %add3A_265, %mul3A_266 : i32
      %get3A_268 = arith.index_cast %mul3A_267 : i32 to index
      %get3A_269 = tpu.vector_load %arg4[%get3A_268] {strides = array<i32>} : memref<32768xf32, #tpu.memory_space<vmem>>, vector<16xf32>,
      %gt3A_270 = arith.cmpf ogt, %get3A_269, %scan3A_232 : vector<16xf32>
      %select_n3A_271 = arith.select %gt3A_270, %get3A_269, %scan3A_232 : vector<16xi1>, vector<16xf32>
      %broadcast_in_dim3A_272 = vector.broadcast %add3A_265 : i32 to vector<16xi32>
      %select_n3A_273 = arith.select %gt3A_270, %broadcast_in_dim3A_272, %scan3A_240 : vector<16xi1>, vector<16xi32>
      %mul3A_274 = arith.constant 8 : i32
      %mul3A_275 = arith.muli %scan3A_230, %mul3A_274 : i32
      %add3A_276 = arith.constant 0 : i32
      %add3A_277 = arith.addi %add3A_276, %mul3A_275 : i32
      %add3A_278 = arith.constant 2 : i32
      %add3A_279 = arith.addi %add3A_277, %add3A_278 : i32
      %mul3A_280 = arith.constant 16 : i32
      %mul3A_281 = arith.muli %add3A_279, %mul3A_280 : i32
      %get3A_282 = arith.index_cast %mul3A_281 : i32 to index
      %get3A_283 = tpu.vector_load %arg4[%get3A_282] {strides = array<i32>} : memref<32768xf32, #tpu.memory_space<vmem>>, vector<16xf32>,
      %gt3A_284 = arith.cmpf ogt, %get3A_283, %scan3A_233 : vector<16xf32>
      %select_n3A_285 = arith.select %gt3A_284, %get3A_283, %scan3A_233 : vector<16xi1>, vector<16xf32>
      %broadcast_in_dim3A_286 = vector.broadcast %add3A_279 : i32 to vector<16xi32>
      %select_n3A_287 = arith.select %gt3A_284, %broadcast_in_dim3A_286, %scan3A_241 : vector<16xi1>, vector<16xi32>
      %mul3A_288 = arith.constant 8 : i32
      %mul3A_289 = arith.muli %scan3A_230, %mul3A_288 : i32
      %add3A_290 = arith.constant 0 : i32
      %add3A_291 = arith.addi %add3A_290, %mul3A_289 : i32
      %add3A_292 = arith.constant 3 : i32
      %add3A_293 = arith.addi %add3A_291, %add3A_292 : i32
      %mul3A_294 = arith.constant 16 : i32
      %mul3A_295 = arith.muli %add3A_293, %mul3A_294 : i32
      %get3A_296 = arith.index_cast %mul3A_295 : i32 to index
      %get3A_297 = tpu.vector_load %arg4[%get3A_296] {strides = array<i32>} : memref<32768xf32, #tpu.memory_space<vmem>>, vector<16xf32>,
      %gt3A_298 = arith.cmpf ogt, %get3A_297, %scan3A_234 : vector<16xf32>
      %select_n3A_299 = arith.select %gt3A_298, %get3A_297, %scan3A_234 : vector<16xi1>, vector<16xf32>
      %broadcast_in_dim3A_300 = vector.broadcast %add3A_293 : i32 to vector<16xi32>
      %select_n3A_301 = arith.select %gt3A_298, %broadcast_in_dim3A_300, %scan3A_242 : vector<16xi1>, vector<16xi32>
      %mul3A_302 = arith.constant 8 : i32
      %mul3A_303 = arith.muli %scan3A_230, %mul3A_302 : i32
      %add3A_304 = arith.constant 0 : i32
      %add3A_305 = arith.addi %add3A_304, %mul3A_303 : i32
      %add3A_306 = arith.constant 4 : i32
      %add3A_307 = arith.addi %add3A_305, %add3A_306 : i32
      %mul3A_308 = arith.constant 16 : i32
      %mul3A_309 = arith.muli %add3A_307, %mul3A_308 : i32
      %get3A_310 = arith.index_cast %mul3A_309 : i32 to index
      %get3A_311 = tpu.vector_load %arg4[%get3A_310] {strides = array<i32>} : memref<32768xf32, #tpu.memory_space<vmem>>, vector<16xf32>,
      %gt3A_312 = arith.cmpf ogt, %get3A_311, %scan3A_235 : vector<16xf32>
      %select_n3A_313 = arith.select %gt3A_312, %get3A_311, %scan3A_235 : vector<16xi1>, vector<16xf32>
      %broadcast_in_dim3A_314 = vector.broadcast %add3A_307 : i32 to vector<16xi32>
      %select_n3A_315 = arith.select %gt3A_312, %broadcast_in_dim3A_314, %scan3A_243 : vector<16xi1>, vector<16xi32>
      %mul3A_316 = arith.constant 8 : i32
      %mul3A_317 = arith.muli %scan3A_230, %mul3A_316 : i32
      %add3A_318 = arith.constant 0 : i32
      %add3A_319 = arith.addi %add3A_318, %mul3A_317 : i32
      %add3A_320 = arith.constant 5 : i32
      %add3A_321 = arith.addi %add3A_319, %add3A_320 : i32
      %mul3A_322 = arith.constant 16 : i32
      %mul3A_323 = arith.muli %add3A_321, %mul3A_322 : i32
      %get3A_324 = arith.index_cast %mul3A_323 : i32 to index
      %get3A_325 = tpu.vector_load %arg4[%get3A_324] {strides = array<i32>} : memref<32768xf32, #tpu.memory_space<vmem>>, vector<16xf32>,
      %gt3A_326 = arith.cmpf ogt, %get3A_325, %scan3A_236 : vector<16xf32>
      %select_n3A_327 = arith.select %gt3A_326, %get3A_325, %scan3A_236 : vector<16xi1>, vector<16xf32>
      %broadcast_in_dim3A_328 = vector.broadcast %add3A_321 : i32 to vector<16xi32>
      %select_n3A_329 = arith.select %gt3A_326, %broadcast_in_dim3A_328, %scan3A_244 : vector<16xi1>, vector<16xi32>
      %mul3A_330 = arith.constant 8 : i32
      %mul3A_331 = arith.muli %scan3A_230, %mul3A_330 : i32
      %add3A_332 = arith.constant 0 : i32
      %add3A_333 = arith.addi %add3A_332, %mul3A_331 : i32
      %add3A_334 = arith.constant 6 : i32
      %add3A_335 = arith.addi %add3A_333, %add3A_334 : i32
      %mul3A_336 = arith.constant 16 : i32
      %mul3A_337 = arith.muli %add3A_335, %mul3A_336 : i32
      %get3A_338 = arith.index_cast %mul3A_337 : i32 to index
      %get3A_339 = tpu.vector_load %arg4[%get3A_338] {strides = array<i32>} : memref<32768xf32, #tpu.memory_space<vmem>>, vector<16xf32>,
      %gt3A_340 = arith.cmpf ogt, %get3A_339, %scan3A_237 : vector<16xf32>
      %select_n3A_341 = arith.select %gt3A_340, %get3A_339, %scan3A_237 : vector<16xi1>, vector<16xf32>
      %broadcast_in_dim3A_342 = vector.broadcast %add3A_335 : i32 to vector<16xi32>
      %select_n3A_343 = arith.select %gt3A_340, %broadcast_in_dim3A_342, %scan3A_245 : vector<16xi1>, vector<16xi32>
      %mul3A_344 = arith.constant 8 : i32
      %mul3A_345 = arith.muli %scan3A_230, %mul3A_344 : i32
      %add3A_346 = arith.constant 0 : i32
      %add3A_347 = arith.addi %add3A_346, %mul3A_345 : i32
      %add3A_348 = arith.constant 7 : i32
      %add3A_349 = arith.addi %add3A_347, %add3A_348 : i32
      %mul3A_350 = arith.constant 16 : i32
      %mul3A_351 = arith.muli %add3A_349, %mul3A_350 : i32
      %get3A_352 = arith.index_cast %mul3A_351 : i32 to index
      %get3A_353 = tpu.vector_load %arg4[%get3A_352] {strides = array<i32>} : memref<32768xf32, #tpu.memory_space<vmem>>, vector<16xf32>,
      %gt3A_354 = arith.cmpf ogt, %get3A_353, %scan3A_238 : vector<16xf32>
      %select_n3A_355 = arith.select %gt3A_354, %get3A_353, %scan3A_238 : vector<16xi1>, vector<16xf32>
      %broadcast_in_dim3A_356 = vector.broadcast %add3A_349 : i32 to vector<16xi32>
      %select_n3A_357 = arith.select %gt3A_354, %broadcast_in_dim3A_356, %scan3A_246 : vector<16xi1>, vector<16xi32>
      scf.yield %select_n3A_257, %select_n3A_271, %select_n3A_285, %select_n3A_299, %select_n3A_313, %select_n3A_327, %select_n3A_341, %select_n3A_355, %select_n3A_259, %select_n3A_273, %select_n3A_287, %select_n3A_301, %select_n3A_315, %select_n3A_329, %select_n3A_343, %select_n3A_357 : vector<16xf32>, vector<16xf32>, vector<16xf32>, vector<16xf32>, vector<16xf32>, vector<16xf32>, vector<16xf32>, vector<16xf32>, vector<16xi32>, vector<16xi32>, vector<16xi32>, vector<16xi32>, vector<16xi32>, vector<16xi32>, vector<16xi32>, vector<16xi32>
    }
    %scan3A_94 = arith.constant 16 : i32
    %dma_wait3A_95 = arith.constant 2048 : i32
    %dma_wait3A_96 = tpu.memref_slice %arg4[%dma_wait3A_95] : memref<32768xf32, #tpu.memory_space<vmem>> -> memref<2048xf32, #tpu.memory_space<vmem>>
    %dma_wait3A_97 = arith.constant 2048 : i32
    %dma_wait3A_98 = tpu.memref_slice %arg2[%add3A, %dma_wait3A_97] : memref<64x32768xf32, #tpu.memory_space<hbm>> -> memref<1x2048xf32, #tpu.memory_space<hbm>>
    %dma_wait3A_99 = tpu.memref_squeeze %dma_wait3A_98 : memref<1x2048xf32, #tpu.memory_space<hbm>> -> memref<2048xf32, #tpu.memory_space<hbm>>
    %dma_wait3A_100 = arith.constant 2048 : i32
    %dma_wait3A_101 = tpu.memref_slice %arg4[%dma_wait3A_100] : memref<32768xf32, #tpu.memory_space<vmem>> -> memref<2048xf32, #tpu.memory_space<vmem>>
    %dma_wait3A_102 = arith.constant 2048 : i32
    %dma_wait3A_103 = tpu.memref_slice %arg2[%add3A, %dma_wait3A_102] : memref<64x32768xf32, #tpu.memory_space<hbm>> -> memref<1x2048xf32, #tpu.memory_space<hbm>>
    %dma_wait3A_104 = tpu.memref_squeeze %dma_wait3A_103 : memref<1x2048xf32, #tpu.memory_space<hbm>> -> memref<2048xf32, #tpu.memory_space<hbm>>
    tpu.wait_dma2 semaphore(%arg7 : memref<!tpu.dma_semaphore, #tpu.memory_space<semaphore_mem>>) src(%dma_wait3A_104 : memref<2048xf32, #tpu.memory_space<hbm>>) dst(%dma_wait3A_101 : memref<2048xf32, #tpu.memory_space<vmem>>)
    %scan3A_105 = arith.constant 0 : i32
    %scan3A_106 = arith.constant 16 : i32
    %scan3A_107 = arith.addi %scan3A_105, %scan3A_106 : i32
    %scan3A_108 = arith.constant 1 : i32
    %scan3A_109:16 = scf.for %scan3A_230 = %scan3A_105 to %scan3A_107 step %scan3A_108 iter_args(%scan3A_231 = %scan3A_93#0, %scan3A_232 = %scan3A_93#1, %scan3A_233 = %scan3A_93#2, %scan3A_234 = %scan3A_93#3, %scan3A_235 = %scan3A_93#4, %scan3A_236 = %scan3A_93#5, %scan3A_237 = %scan3A_93#6, %scan3A_238 = %scan3A_93#7, %scan3A_239 = %scan3A_93#8, %scan3A_240 = %scan3A_93#9, %scan3A_241 = %scan3A_93#10, %scan3A_242 = %scan3A_93#11, %scan3A_243 = %scan3A_93#12, %scan3A_244 = %scan3A_93#13, %scan3A_245 = %scan3A_93#14, %scan3A_246 = %scan3A_93#15) -> (vector<16xf32>, vector<16xf32>, vector<16xf32>, vector<16xf32>, vector<16xf32>, vector<16xf32>, vector<16xf32>, vector<16xf32>, vector<16xi32>, vector<16xi32>, vector<16xi32>, vector<16xi32>, vector<16xi32>, vector<16xi32>, vector<16xi32>, vector<16xi32>)  : i32 {
      %mul3A_247 = arith.constant 8 : i32
      %mul3A_248 = arith.muli %scan3A_230, %mul3A_247 : i32
      %add3A_249 = arith.constant 128 : i32
      %add3A_250 = arith.addi %add3A_249, %mul3A_248 : i32
      %add3A_251 = arith.constant 0 : i32
      %add3A_252 = arith.addi %add3A_250, %add3A_251 : i32
      %mul3A_253 = arith.constant 16 : i32
      %mul3A_254 = arith.muli %add3A_252, %mul3A_253 : i32
      %get3A = arith.index_cast %mul3A_254 : i32 to index
      %get3A_255 = tpu.vector_load %arg4[%get3A] {strides = array<i32>} : memref<32768xf32, #tpu.memory_space<vmem>>, vector<16xf32>,
      %gt3A_256 = arith.cmpf ogt, %get3A_255, %scan3A_231 : vector<16xf32>
      %select_n3A_257 = arith.select %gt3A_256, %get3A_255, %scan3A_231 : vector<16xi1>, vector<16xf32>
      %broadcast_in_dim3A_258 = vector.broadcast %add3A_252 : i32 to vector<16xi32>
      %select_n3A_259 = arith.select %gt3A_256, %broadcast_in_dim3A_258, %scan3A_239 : vector<16xi1>, vector<16xi32>
      %mul3A_260 = arith.constant 8 : i32
      %mul3A_261 = arith.muli %scan3A_230, %mul3A_260 : i32
      %add3A_262 = arith.constant 128 : i32
      %add3A_263 = arith.addi %add3A_262, %mul3A_261 : i32
      %add3A_264 = arith.constant 1 : i32
      %add3A_265 = arith.addi %add3A_263, %add3A_264 : i32
      %mul3A_266 = arith.constant 16 : i32
      %mul3A_267 = arith.muli %add3A_265, %mul3A_266 : i32
      %get3A_268 = arith.index_cast %mul3A_267 : i32 to index
      %get3A_269 = tpu.vector_load %arg4[%get3A_268] {strides = array<i32>} : memref<32768xf32, #tpu.memory_space<vmem>>, vector<16xf32>,
      %gt3A_270 = arith.cmpf ogt, %get3A_269, %scan3A_232 : vector<16xf32>
      %select_n3A_271 = arith.select %gt3A_270, %get3A_269, %scan3A_232 : vector<16xi1>, vector<16xf32>
      %broadcast_in_dim3A_272 = vector.broadcast %add3A_265 : i32 to vector<16xi32>
      %select_n3A_273 = arith.select %gt3A_270, %broadcast_in_dim3A_272, %scan3A_240 : vector<16xi1>, vector<16xi32>
      %mul3A_274 = arith.constant 8 : i32
      %mul3A_275 = arith.muli %scan3A_230, %mul3A_274 : i32
      %add3A_276 = arith.constant 128 : i32
      %add3A_277 = arith.addi %add3A_276, %mul3A_275 : i32
      %add3A_278 = arith.constant 2 : i32
      %add3A_279 = arith.addi %add3A_277, %add3A_278 : i32
      %mul3A_280 = arith.constant 16 : i32
      %mul3A_281 = arith.muli %add3A_279, %mul3A_280 : i32
      %get3A_282 = arith.index_cast %mul3A_281 : i32 to index
      %get3A_283 = tpu.vector_load %arg4[%get3A_282] {strides = array<i32>} : memref<32768xf32, #tpu.memory_space<vmem>>, vector<16xf32>,
      %gt3A_284 = arith.cmpf ogt, %get3A_283, %scan3A_233 : vector<16xf32>
      %select_n3A_285 = arith.select %gt3A_284, %get3A_283, %scan3A_233 : vector<16xi1>, vector<16xf32>
      %broadcast_in_dim3A_286 = vector.broadcast %add3A_279 : i32 to vector<16xi32>
      %select_n3A_287 = arith.select %gt3A_284, %broadcast_in_dim3A_286, %scan3A_241 : vector<16xi1>, vector<16xi32>
      %mul3A_288 = arith.constant 8 : i32
      %mul3A_289 = arith.muli %scan3A_230, %mul3A_288 : i32
      %add3A_290 = arith.constant 128 : i32
      %add3A_291 = arith.addi %add3A_290, %mul3A_289 : i32
      %add3A_292 = arith.constant 3 : i32
      %add3A_293 = arith.addi %add3A_291, %add3A_292 : i32
      %mul3A_294 = arith.constant 16 : i32
      %mul3A_295 = arith.muli %add3A_293, %mul3A_294 : i32
      %get3A_296 = arith.index_cast %mul3A_295 : i32 to index
      %get3A_297 = tpu.vector_load %arg4[%get3A_296] {strides = array<i32>} : memref<32768xf32, #tpu.memory_space<vmem>>, vector<16xf32>,
      %gt3A_298 = arith.cmpf ogt, %get3A_297, %scan3A_234 : vector<16xf32>
      %select_n3A_299 = arith.select %gt3A_298, %get3A_297, %scan3A_234 : vector<16xi1>, vector<16xf32>
      %broadcast_in_dim3A_300 = vector.broadcast %add3A_293 : i32 to vector<16xi32>
      %select_n3A_301 = arith.select %gt3A_298, %broadcast_in_dim3A_300, %scan3A_242 : vector<16xi1>, vector<16xi32>
      %mul3A_302 = arith.constant 8 : i32
      %mul3A_303 = arith.muli %scan3A_230, %mul3A_302 : i32
      %add3A_304 = arith.constant 128 : i32
      %add3A_305 = arith.addi %add3A_304, %mul3A_303 : i32
      %add3A_306 = arith.constant 4 : i32
      %add3A_307 = arith.addi %add3A_305, %add3A_306 : i32
      %mul3A_308 = arith.constant 16 : i32
      %mul3A_309 = arith.muli %add3A_307, %mul3A_308 : i32
      %get3A_310 = arith.index_cast %mul3A_309 : i32 to index
      %get3A_311 = tpu.vector_load %arg4[%get3A_310] {strides = array<i32>} : memref<32768xf32, #tpu.memory_space<vmem>>, vector<16xf32>,
      %gt3A_312 = arith.cmpf ogt, %get3A_311, %scan3A_235 : vector<16xf32>
      %select_n3A_313 = arith.select %gt3A_312, %get3A_311, %scan3A_235 : vector<16xi1>, vector<16xf32>
      %broadcast_in_dim3A_314 = vector.broadcast %add3A_307 : i32 to vector<16xi32>
      %select_n3A_315 = arith.select %gt3A_312, %broadcast_in_dim3A_314, %scan3A_243 : vector<16xi1>, vector<16xi32>
      %mul3A_316 = arith.constant 8 : i32
      %mul3A_317 = arith.muli %scan3A_230, %mul3A_316 : i32
      %add3A_318 = arith.constant 128 : i32
      %add3A_319 = arith.addi %add3A_318, %mul3A_317 : i32
      %add3A_320 = arith.constant 5 : i32
      %add3A_321 = arith.addi %add3A_319, %add3A_320 : i32
      %mul3A_322 = arith.constant 16 : i32
      %mul3A_323 = arith.muli %add3A_321, %mul3A_322 : i32
      %get3A_324 = arith.index_cast %mul3A_323 : i32 to index
      %get3A_325 = tpu.vector_load %arg4[%get3A_324] {strides = array<i32>} : memref<32768xf32, #tpu.memory_space<vmem>>, vector<16xf32>,
      %gt3A_326 = arith.cmpf ogt, %get3A_325, %scan3A_236 : vector<16xf32>
      %select_n3A_327 = arith.select %gt3A_326, %get3A_325, %scan3A_236 : vector<16xi1>, vector<16xf32>
      %broadcast_in_dim3A_328 = vector.broadcast %add3A_321 : i32 to vector<16xi32>
      %select_n3A_329 = arith.select %gt3A_326, %broadcast_in_dim3A_328, %scan3A_244 : vector<16xi1>, vector<16xi32>
      %mul3A_330 = arith.constant 8 : i32
      %mul3A_331 = arith.muli %scan3A_230, %mul3A_330 : i32
      %add3A_332 = arith.constant 128 : i32
      %add3A_333 = arith.addi %add3A_332, %mul3A_331 : i32
      %add3A_334 = arith.constant 6 : i32
      %add3A_335 = arith.addi %add3A_333, %add3A_334 : i32
      %mul3A_336 = arith.constant 16 : i32
      %mul3A_337 = arith.muli %add3A_335, %mul3A_336 : i32
      %get3A_338 = arith.index_cast %mul3A_337 : i32 to index
      %get3A_339 = tpu.vector_load %arg4[%get3A_338] {strides = array<i32>} : memref<32768xf32, #tpu.memory_space<vmem>>, vector<16xf32>,
      %gt3A_340 = arith.cmpf ogt, %get3A_339, %scan3A_237 : vector<16xf32>
      %select_n3A_341 = arith.select %gt3A_340, %get3A_339, %scan3A_237 : vector<16xi1>, vector<16xf32>
      %broadcast_in_dim3A_342 = vector.broadcast %add3A_335 : i32 to vector<16xi32>
      %select_n3A_343 = arith.select %gt3A_340, %broadcast_in_dim3A_342, %scan3A_245 : vector<16xi1>, vector<16xi32>
      %mul3A_344 = arith.constant 8 : i32
      %mul3A_345 = arith.muli %scan3A_230, %mul3A_344 : i32
      %add3A_346 = arith.constant 128 : i32
      %add3A_347 = arith.addi %add3A_346, %mul3A_345 : i32
      %add3A_348 = arith.constant 7 : i32
      %add3A_349 = arith.addi %add3A_347, %add3A_348 : i32
      %mul3A_350 = arith.constant 16 : i32
      %mul3A_351 = arith.muli %add3A_349, %mul3A_350 : i32
      %get3A_352 = arith.index_cast %mul3A_351 : i32 to index
      %get3A_353 = tpu.vector_load %arg4[%get3A_352] {strides = array<i32>} : memref<32768xf32, #tpu.memory_space<vmem>>, vector<16xf32>,
      %gt3A_354 = arith.cmpf ogt, %get3A_353, %scan3A_238 : vector<16xf32>
      %select_n3A_355 = arith.select %gt3A_354, %get3A_353, %scan3A_238 : vector<16xi1>, vector<16xf32>
      %broadcast_in_dim3A_356 = vector.broadcast %add3A_349 : i32 to vector<16xi32>
      %select_n3A_357 = arith.select %gt3A_354, %broadcast_in_dim3A_356, %scan3A_246 : vector<16xi1>, vector<16xi32>
      scf.yield %select_n3A_257, %select_n3A_271, %select_n3A_285, %select_n3A_299, %select_n3A_313, %select_n3A_327, %select_n3A_341, %select_n3A_355, %select_n3A_259, %select_n3A_273, %select_n3A_287, %select_n3A_301, %select_n3A_315, %select_n3A_329, %select_n3A_343, %select_n3A_357 : vector<16xf32>, vector<16xf32>, vector<16xf32>, vector<16xf32>, vector<16xf32>, vector<16xf32>, vector<16xf32>, vector<16xf32>, vector<16xi32>, vector<16xi32>, vector<16xi32>, vector<16xi32>, vector<16xi32>, vector<16xi32>, vector<16xi32>, vector<16xi32>
    }
    %scan3A_110 = arith.constant 16 : i32
    %dma_wait3A_111 = arith.constant 4096 : i32
    %dma_wait3A_112 = tpu.memref_slice %arg4[%dma_wait3A_111] : memref<32768xf32, #tpu.memory_space<vmem>> -> memref<4096xf32, #tpu.memory_space<vmem>>
    %dma_wait3A_113 = arith.constant 4096 : i32
    %dma_wait3A_114 = tpu.memref_slice %arg2[%add3A, %dma_wait3A_113] : memref<64x32768xf32, #tpu.memory_space<hbm>> -> memref<1x4096xf32, #tpu.memory_space<hbm>>
    %dma_wait3A_115 = tpu.memref_squeeze %dma_wait3A_114 : memref<1x4096xf32, #tpu.memory_space<hbm>> -> memref<4096xf32, #tpu.memory_space<hbm>>
    %dma_wait3A_116 = arith.constant 4096 : i32
    %dma_wait3A_117 = tpu.memref_slice %arg4[%dma_wait3A_116] : memref<32768xf32, #tpu.memory_space<vmem>> -> memref<4096xf32, #tpu.memory_space<vmem>>
    %dma_wait3A_118 = arith.constant 4096 : i32
    %dma_wait3A_119 = tpu.memref_slice %arg2[%add3A, %dma_wait3A_118] : memref<64x32768xf32, #tpu.memory_space<hbm>> -> memref<1x4096xf32, #tpu.memory_space<hbm>>
    %dma_wait3A_120 = tpu.memref_squeeze %dma_wait3A_119 : memref<1x4096xf32, #tpu.memory_space<hbm>> -> memref<4096xf32, #tpu.memory_space<hbm>>
    tpu.wait_dma2 semaphore(%arg8 : memref<!tpu.dma_semaphore, #tpu.memory_space<semaphore_mem>>) src(%dma_wait3A_120 : memref<4096xf32, #tpu.memory_space<hbm>>) dst(%dma_wait3A_117 : memref<4096xf32, #tpu.memory_space<vmem>>)
    %scan3A_121 = arith.constant 0 : i32
    %scan3A_122 = arith.constant 32 : i32
    %scan3A_123 = arith.addi %scan3A_121, %scan3A_122 : i32
    %scan3A_124 = arith.constant 1 : i32
    %scan3A_125:16 = scf.for %scan3A_230 = %scan3A_121 to %scan3A_123 step %scan3A_124 iter_args(%scan3A_231 = %scan3A_109#0, %scan3A_232 = %scan3A_109#1, %scan3A_233 = %scan3A_109#2, %scan3A_234 = %scan3A_109#3, %scan3A_235 = %scan3A_109#4, %scan3A_236 = %scan3A_109#5, %scan3A_237 = %scan3A_109#6, %scan3A_238 = %scan3A_109#7, %scan3A_239 = %scan3A_109#8, %scan3A_240 = %scan3A_109#9, %scan3A_241 = %scan3A_109#10, %scan3A_242 = %scan3A_109#11, %scan3A_243 = %scan3A_109#12, %scan3A_244 = %scan3A_109#13, %scan3A_245 = %scan3A_109#14, %scan3A_246 = %scan3A_109#15) -> (vector<16xf32>, vector<16xf32>, vector<16xf32>, vector<16xf32>, vector<16xf32>, vector<16xf32>, vector<16xf32>, vector<16xf32>, vector<16xi32>, vector<16xi32>, vector<16xi32>, vector<16xi32>, vector<16xi32>, vector<16xi32>, vector<16xi32>, vector<16xi32>)  : i32 {
      %mul3A_247 = arith.constant 8 : i32
      %mul3A_248 = arith.muli %scan3A_230, %mul3A_247 : i32
      %add3A_249 = arith.constant 256 : i32
      %add3A_250 = arith.addi %add3A_249, %mul3A_248 : i32
      %add3A_251 = arith.constant 0 : i32
      %add3A_252 = arith.addi %add3A_250, %add3A_251 : i32
      %mul3A_253 = arith.constant 16 : i32
      %mul3A_254 = arith.muli %add3A_252, %mul3A_253 : i32
      %get3A = arith.index_cast %mul3A_254 : i32 to index
      %get3A_255 = tpu.vector_load %arg4[%get3A] {strides = array<i32>} : memref<32768xf32, #tpu.memory_space<vmem>>, vector<16xf32>,
      %gt3A_256 = arith.cmpf ogt, %get3A_255, %scan3A_231 : vector<16xf32>
      %select_n3A_257 = arith.select %gt3A_256, %get3A_255, %scan3A_231 : vector<16xi1>, vector<16xf32>
      %broadcast_in_dim3A_258 = vector.broadcast %add3A_252 : i32 to vector<16xi32>
      %select_n3A_259 = arith.select %gt3A_256, %broadcast_in_dim3A_258, %scan3A_239 : vector<16xi1>, vector<16xi32>
      %mul3A_260 = arith.constant 8 : i32
      %mul3A_261 = arith.muli %scan3A_230, %mul3A_260 : i32
      %add3A_262 = arith.constant 256 : i32
      %add3A_263 = arith.addi %add3A_262, %mul3A_261 : i32
      %add3A_264 = arith.constant 1 : i32
      %add3A_265 = arith.addi %add3A_263, %add3A_264 : i32
      %mul3A_266 = arith.constant 16 : i32
      %mul3A_267 = arith.muli %add3A_265, %mul3A_266 : i32
      %get3A_268 = arith.index_cast %mul3A_267 : i32 to index
      %get3A_269 = tpu.vector_load %arg4[%get3A_268] {strides = array<i32>} : memref<32768xf32, #tpu.memory_space<vmem>>, vector<16xf32>,
      %gt3A_270 = arith.cmpf ogt, %get3A_269, %scan3A_232 : vector<16xf32>
      %select_n3A_271 = arith.select %gt3A_270, %get3A_269, %scan3A_232 : vector<16xi1>, vector<16xf32>
      %broadcast_in_dim3A_272 = vector.broadcast %add3A_265 : i32 to vector<16xi32>
      %select_n3A_273 = arith.select %gt3A_270, %broadcast_in_dim3A_272, %scan3A_240 : vector<16xi1>, vector<16xi32>
      %mul3A_274 = arith.constant 8 : i32
      %mul3A_275 = arith.muli %scan3A_230, %mul3A_274 : i32
      %add3A_276 = arith.constant 256 : i32
      %add3A_277 = arith.addi %add3A_276, %mul3A_275 : i32
      %add3A_278 = arith.constant 2 : i32
      %add3A_279 = arith.addi %add3A_277, %add3A_278 : i32
      %mul3A_280 = arith.constant 16 : i32
      %mul3A_281 = arith.muli %add3A_279, %mul3A_280 : i32
      %get3A_282 = arith.index_cast %mul3A_281 : i32 to index
      %get3A_283 = tpu.vector_load %arg4[%get3A_282] {strides = array<i32>} : memref<32768xf32, #tpu.memory_space<vmem>>, vector<16xf32>,
      %gt3A_284 = arith.cmpf ogt, %get3A_283, %scan3A_233 : vector<16xf32>
      %select_n3A_285 = arith.select %gt3A_284, %get3A_283, %scan3A_233 : vector<16xi1>, vector<16xf32>
      %broadcast_in_dim3A_286 = vector.broadcast %add3A_279 : i32 to vector<16xi32>
      %select_n3A_287 = arith.select %gt3A_284, %broadcast_in_dim3A_286, %scan3A_241 : vector<16xi1>, vector<16xi32>
      %mul3A_288 = arith.constant 8 : i32
      %mul3A_289 = arith.muli %scan3A_230, %mul3A_288 : i32
      %add3A_290 = arith.constant 256 : i32
      %add3A_291 = arith.addi %add3A_290, %mul3A_289 : i32
      %add3A_292 = arith.constant 3 : i32
      %add3A_293 = arith.addi %add3A_291, %add3A_292 : i32
      %mul3A_294 = arith.constant 16 : i32
      %mul3A_295 = arith.muli %add3A_293, %mul3A_294 : i32
      %get3A_296 = arith.index_cast %mul3A_295 : i32 to index
      %get3A_297 = tpu.vector_load %arg4[%get3A_296] {strides = array<i32>} : memref<32768xf32, #tpu.memory_space<vmem>>, vector<16xf32>,
      %gt3A_298 = arith.cmpf ogt, %get3A_297, %scan3A_234 : vector<16xf32>
      %select_n3A_299 = arith.select %gt3A_298, %get3A_297, %scan3A_234 : vector<16xi1>, vector<16xf32>
      %broadcast_in_dim3A_300 = vector.broadcast %add3A_293 : i32 to vector<16xi32>
      %select_n3A_301 = arith.select %gt3A_298, %broadcast_in_dim3A_300, %scan3A_242 : vector<16xi1>, vector<16xi32>
      %mul3A_302 = arith.constant 8 : i32
      %mul3A_303 = arith.muli %scan3A_230, %mul3A_302 : i32
      %add3A_304 = arith.constant 256 : i32
      %add3A_305 = arith.addi %add3A_304, %mul3A_303 : i32
      %add3A_306 = arith.constant 4 : i32
      %add3A_307 = arith.addi %add3A_305, %add3A_306 : i32
      %mul3A_308 = arith.constant 16 : i32
      %mul3A_309 = arith.muli %add3A_307, %mul3A_308 : i32
      %get3A_310 = arith.index_cast %mul3A_309 : i32 to index
      %get3A_311 = tpu.vector_load %arg4[%get3A_310] {strides = array<i32>} : memref<32768xf32, #tpu.memory_space<vmem>>, vector<16xf32>,
      %gt3A_312 = arith.cmpf ogt, %get3A_311, %scan3A_235 : vector<16xf32>
      %select_n3A_313 = arith.select %gt3A_312, %get3A_311, %scan3A_235 : vector<16xi1>, vector<16xf32>
      %broadcast_in_dim3A_314 = vector.broadcast %add3A_307 : i32 to vector<16xi32>
      %select_n3A_315 = arith.select %gt3A_312, %broadcast_in_dim3A_314, %scan3A_243 : vector<16xi1>, vector<16xi32>
      %mul3A_316 = arith.constant 8 : i32
      %mul3A_317 = arith.muli %scan3A_230, %mul3A_316 : i32
      %add3A_318 = arith.constant 256 : i32
      %add3A_319 = arith.addi %add3A_318, %mul3A_317 : i32
      %add3A_320 = arith.constant 5 : i32
      %add3A_321 = arith.addi %add3A_319, %add3A_320 : i32
      %mul3A_322 = arith.constant 16 : i32
      %mul3A_323 = arith.muli %add3A_321, %mul3A_322 : i32
      %get3A_324 = arith.index_cast %mul3A_323 : i32 to index
      %get3A_325 = tpu.vector_load %arg4[%get3A_324] {strides = array<i32>} : memref<32768xf32, #tpu.memory_space<vmem>>, vector<16xf32>,
      %gt3A_326 = arith.cmpf ogt, %get3A_325, %scan3A_236 : vector<16xf32>
      %select_n3A_327 = arith.select %gt3A_326, %get3A_325, %scan3A_236 : vector<16xi1>, vector<16xf32>
      %broadcast_in_dim3A_328 = vector.broadcast %add3A_321 : i32 to vector<16xi32>
      %select_n3A_329 = arith.select %gt3A_326, %broadcast_in_dim3A_328, %scan3A_244 : vector<16xi1>, vector<16xi32>
      %mul3A_330 = arith.constant 8 : i32
      %mul3A_331 = arith.muli %scan3A_230, %mul3A_330 : i32
      %add3A_332 = arith.constant 256 : i32
      %add3A_333 = arith.addi %add3A_332, %mul3A_331 : i32
      %add3A_334 = arith.constant 6 : i32
      %add3A_335 = arith.addi %add3A_333, %add3A_334 : i32
      %mul3A_336 = arith.constant 16 : i32
      %mul3A_337 = arith.muli %add3A_335, %mul3A_336 : i32
      %get3A_338 = arith.index_cast %mul3A_337 : i32 to index
      %get3A_339 = tpu.vector_load %arg4[%get3A_338] {strides = array<i32>} : memref<32768xf32, #tpu.memory_space<vmem>>, vector<16xf32>,
      %gt3A_340 = arith.cmpf ogt, %get3A_339, %scan3A_237 : vector<16xf32>
      %select_n3A_341 = arith.select %gt3A_340, %get3A_339, %scan3A_237 : vector<16xi1>, vector<16xf32>
      %broadcast_in_dim3A_342 = vector.broadcast %add3A_335 : i32 to vector<16xi32>
      %select_n3A_343 = arith.select %gt3A_340, %broadcast_in_dim3A_342, %scan3A_245 : vector<16xi1>, vector<16xi32>
      %mul3A_344 = arith.constant 8 : i32
      %mul3A_345 = arith.muli %scan3A_230, %mul3A_344 : i32
      %add3A_346 = arith.constant 256 : i32
      %add3A_347 = arith.addi %add3A_346, %mul3A_345 : i32
      %add3A_348 = arith.constant 7 : i32
      %add3A_349 = arith.addi %add3A_347, %add3A_348 : i32
      %mul3A_350 = arith.constant 16 : i32
      %mul3A_351 = arith.muli %add3A_349, %mul3A_350 : i32
      %get3A_352 = arith.index_cast %mul3A_351 : i32 to index
      %get3A_353 = tpu.vector_load %arg4[%get3A_352] {strides = array<i32>} : memref<32768xf32, #tpu.memory_space<vmem>>, vector<16xf32>,
      %gt3A_354 = arith.cmpf ogt, %get3A_353, %scan3A_238 : vector<16xf32>
      %select_n3A_355 = arith.select %gt3A_354, %get3A_353, %scan3A_238 : vector<16xi1>, vector<16xf32>
      %broadcast_in_dim3A_356 = vector.broadcast %add3A_349 : i32 to vector<16xi32>
      %select_n3A_357 = arith.select %gt3A_354, %broadcast_in_dim3A_356, %scan3A_246 : vector<16xi1>, vector<16xi32>
      scf.yield %select_n3A_257, %select_n3A_271, %select_n3A_285, %select_n3A_299, %select_n3A_313, %select_n3A_327, %select_n3A_341, %select_n3A_355, %select_n3A_259, %select_n3A_273, %select_n3A_287, %select_n3A_301, %select_n3A_315, %select_n3A_329, %select_n3A_343, %select_n3A_357 : vector<16xf32>, vector<16xf32>, vector<16xf32>, vector<16xf32>, vector<16xf32>, vector<16xf32>, vector<16xf32>, vector<16xf32>, vector<16xi32>, vector<16xi32>, vector<16xi32>, vector<16xi32>, vector<16xi32>, vector<16xi32>, vector<16xi32>, vector<16xi32>
    }
    %scan3A_126 = arith.constant 32 : i32
    %dma_wait3A_127 = arith.constant 8192 : i32
    %dma_wait3A_128 = tpu.memref_slice %arg4[%dma_wait3A_127] : memref<32768xf32, #tpu.memory_space<vmem>> -> memref<8192xf32, #tpu.memory_space<vmem>>
    %dma_wait3A_129 = arith.constant 8192 : i32
    %dma_wait3A_130 = tpu.memref_slice %arg2[%add3A, %dma_wait3A_129] : memref<64x32768xf32, #tpu.memory_space<hbm>> -> memref<1x8192xf32, #tpu.memory_space<hbm>>
    %dma_wait3A_131 = tpu.memref_squeeze %dma_wait3A_130 : memref<1x8192xf32, #tpu.memory_space<hbm>> -> memref<8192xf32, #tpu.memory_space<hbm>>
    %dma_wait3A_132 = arith.constant 8192 : i32
    %dma_wait3A_133 = tpu.memref_slice %arg4[%dma_wait3A_132] : memref<32768xf32, #tpu.memory_space<vmem>> -> memref<8192xf32, #tpu.memory_space<vmem>>
    %dma_wait3A_134 = arith.constant 8192 : i32
    %dma_wait3A_135 = tpu.memref_slice %arg2[%add3A, %dma_wait3A_134] : memref<64x32768xf32, #tpu.memory_space<hbm>> -> memref<1x8192xf32, #tpu.memory_space<hbm>>
    %dma_wait3A_136 = tpu.memref_squeeze %dma_wait3A_135 : memref<1x8192xf32, #tpu.memory_space<hbm>> -> memref<8192xf32, #tpu.memory_space<hbm>>
    tpu.wait_dma2 semaphore(%arg9 : memref<!tpu.dma_semaphore, #tpu.memory_space<semaphore_mem>>) src(%dma_wait3A_136 : memref<8192xf32, #tpu.memory_space<hbm>>) dst(%dma_wait3A_133 : memref<8192xf32, #tpu.memory_space<vmem>>)
    %scan3A_137 = arith.constant 0 : i32
    %scan3A_138 = arith.constant 64 : i32
    %scan3A_139 = arith.addi %scan3A_137, %scan3A_138 : i32
    %scan3A_140 = arith.constant 1 : i32
    %scan3A_141:16 = scf.for %scan3A_230 = %scan3A_137 to %scan3A_139 step %scan3A_140 iter_args(%scan3A_231 = %scan3A_125#0, %scan3A_232 = %scan3A_125#1, %scan3A_233 = %scan3A_125#2, %scan3A_234 = %scan3A_125#3, %scan3A_235 = %scan3A_125#4, %scan3A_236 = %scan3A_125#5, %scan3A_237 = %scan3A_125#6, %scan3A_238 = %scan3A_125#7, %scan3A_239 = %scan3A_125#8, %scan3A_240 = %scan3A_125#9, %scan3A_241 = %scan3A_125#10, %scan3A_242 = %scan3A_125#11, %scan3A_243 = %scan3A_125#12, %scan3A_244 = %scan3A_125#13, %scan3A_245 = %scan3A_125#14, %scan3A_246 = %scan3A_125#15) -> (vector<16xf32>, vector<16xf32>, vector<16xf32>, vector<16xf32>, vector<16xf32>, vector<16xf32>, vector<16xf32>, vector<16xf32>, vector<16xi32>, vector<16xi32>, vector<16xi32>, vector<16xi32>, vector<16xi32>, vector<16xi32>, vector<16xi32>, vector<16xi32>)  : i32 {
      %mul3A_247 = arith.constant 8 : i32
      %mul3A_248 = arith.muli %scan3A_230, %mul3A_247 : i32
      %add3A_249 = arith.constant 512 : i32
      %add3A_250 = arith.addi %add3A_249, %mul3A_248 : i32
      %add3A_251 = arith.constant 0 : i32
      %add3A_252 = arith.addi %add3A_250, %add3A_251 : i32
      %mul3A_253 = arith.constant 16 : i32
      %mul3A_254 = arith.muli %add3A_252, %mul3A_253 : i32
      %get3A = arith.index_cast %mul3A_254 : i32 to index
      %get3A_255 = tpu.vector_load %arg4[%get3A] {strides = array<i32>} : memref<32768xf32, #tpu.memory_space<vmem>>, vector<16xf32>,
      %gt3A_256 = arith.cmpf ogt, %get3A_255, %scan3A_231 : vector<16xf32>
      %select_n3A_257 = arith.select %gt3A_256, %get3A_255, %scan3A_231 : vector<16xi1>, vector<16xf32>
      %broadcast_in_dim3A_258 = vector.broadcast %add3A_252 : i32 to vector<16xi32>
      %select_n3A_259 = arith.select %gt3A_256, %broadcast_in_dim3A_258, %scan3A_239 : vector<16xi1>, vector<16xi32>
      %mul3A_260 = arith.constant 8 : i32
      %mul3A_261 = arith.muli %scan3A_230, %mul3A_260 : i32
      %add3A_262 = arith.constant 512 : i32
      %add3A_263 = arith.addi %add3A_262, %mul3A_261 : i32
      %add3A_264 = arith.constant 1 : i32
      %add3A_265 = arith.addi %add3A_263, %add3A_264 : i32
      %mul3A_266 = arith.constant 16 : i32
      %mul3A_267 = arith.muli %add3A_265, %mul3A_266 : i32
      %get3A_268 = arith.index_cast %mul3A_267 : i32 to index
      %get3A_269 = tpu.vector_load %arg4[%get3A_268] {strides = array<i32>} : memref<32768xf32, #tpu.memory_space<vmem>>, vector<16xf32>,
      %gt3A_270 = arith.cmpf ogt, %get3A_269, %scan3A_232 : vector<16xf32>
      %select_n3A_271 = arith.select %gt3A_270, %get3A_269, %scan3A_232 : vector<16xi1>, vector<16xf32>
      %broadcast_in_dim3A_272 = vector.broadcast %add3A_265 : i32 to vector<16xi32>
      %select_n3A_273 = arith.select %gt3A_270, %broadcast_in_dim3A_272, %scan3A_240 : vector<16xi1>, vector<16xi32>
      %mul3A_274 = arith.constant 8 : i32
      %mul3A_275 = arith.muli %scan3A_230, %mul3A_274 : i32
      %add3A_276 = arith.constant 512 : i32
      %add3A_277 = arith.addi %add3A_276, %mul3A_275 : i32
      %add3A_278 = arith.constant 2 : i32
      %add3A_279 = arith.addi %add3A_277, %add3A_278 : i32
      %mul3A_280 = arith.constant 16 : i32
      %mul3A_281 = arith.muli %add3A_279, %mul3A_280 : i32
      %get3A_282 = arith.index_cast %mul3A_281 : i32 to index
      %get3A_283 = tpu.vector_load %arg4[%get3A_282] {strides = array<i32>} : memref<32768xf32, #tpu.memory_space<vmem>>, vector<16xf32>,
      %gt3A_284 = arith.cmpf ogt, %get3A_283, %scan3A_233 : vector<16xf32>
      %select_n3A_285 = arith.select %gt3A_284, %get3A_283, %scan3A_233 : vector<16xi1>, vector<16xf32>
      %broadcast_in_dim3A_286 = vector.broadcast %add3A_279 : i32 to vector<16xi32>
      %select_n3A_287 = arith.select %gt3A_284, %broadcast_in_dim3A_286, %scan3A_241 : vector<16xi1>, vector<16xi32>
      %mul3A_288 = arith.constant 8 : i32
      %mul3A_289 = arith.muli %scan3A_230, %mul3A_288 : i32
      %add3A_290 = arith.constant 512 : i32
      %add3A_291 = arith.addi %add3A_290, %mul3A_289 : i32
      %add3A_292 = arith.constant 3 : i32
      %add3A_293 = arith.addi %add3A_291, %add3A_292 : i32
      %mul3A_294 = arith.constant 16 : i32
      %mul3A_295 = arith.muli %add3A_293, %mul3A_294 : i32
      %get3A_296 = arith.index_cast %mul3A_295 : i32 to index
      %get3A_297 = tpu.vector_load %arg4[%get3A_296] {strides = array<i32>} : memref<32768xf32, #tpu.memory_space<vmem>>, vector<16xf32>,
      %gt3A_298 = arith.cmpf ogt, %get3A_297, %scan3A_234 : vector<16xf32>
      %select_n3A_299 = arith.select %gt3A_298, %get3A_297, %scan3A_234 : vector<16xi1>, vector<16xf32>
      %broadcast_in_dim3A_300 = vector.broadcast %add3A_293 : i32 to vector<16xi32>
      %select_n3A_301 = arith.select %gt3A_298, %broadcast_in_dim3A_300, %scan3A_242 : vector<16xi1>, vector<16xi32>
      %mul3A_302 = arith.constant 8 : i32
      %mul3A_303 = arith.muli %scan3A_230, %mul3A_302 : i32
      %add3A_304 = arith.constant 512 : i32
      %add3A_305 = arith.addi %add3A_304, %mul3A_303 : i32
      %add3A_306 = arith.constant 4 : i32
      %add3A_307 = arith.addi %add3A_305, %add3A_306 : i32
      %mul3A_308 = arith.constant 16 : i32
      %mul3A_309 = arith.muli %add3A_307, %mul3A_308 : i32
      %get3A_310 = arith.index_cast %mul3A_309 : i32 to index
      %get3A_311 = tpu.vector_load %arg4[%get3A_310] {strides = array<i32>} : memref<32768xf32, #tpu.memory_space<vmem>>, vector<16xf32>,
      %gt3A_312 = arith.cmpf ogt, %get3A_311, %scan3A_235 : vector<16xf32>
      %select_n3A_313 = arith.select %gt3A_312, %get3A_311, %scan3A_235 : vector<16xi1>, vector<16xf32>
      %broadcast_in_dim3A_314 = vector.broadcast %add3A_307 : i32 to vector<16xi32>
      %select_n3A_315 = arith.select %gt3A_312, %broadcast_in_dim3A_314, %scan3A_243 : vector<16xi1>, vector<16xi32>
      %mul3A_316 = arith.constant 8 : i32
      %mul3A_317 = arith.muli %scan3A_230, %mul3A_316 : i32
      %add3A_318 = arith.constant 512 : i32
      %add3A_319 = arith.addi %add3A_318, %mul3A_317 : i32
      %add3A_320 = arith.constant 5 : i32
      %add3A_321 = arith.addi %add3A_319, %add3A_320 : i32
      %mul3A_322 = arith.constant 16 : i32
      %mul3A_323 = arith.muli %add3A_321, %mul3A_322 : i32
      %get3A_324 = arith.index_cast %mul3A_323 : i32 to index
      %get3A_325 = tpu.vector_load %arg4[%get3A_324] {strides = array<i32>} : memref<32768xf32, #tpu.memory_space<vmem>>, vector<16xf32>,
      %gt3A_326 = arith.cmpf ogt, %get3A_325, %scan3A_236 : vector<16xf32>
      %select_n3A_327 = arith.select %gt3A_326, %get3A_325, %scan3A_236 : vector<16xi1>, vector<16xf32>
      %broadcast_in_dim3A_328 = vector.broadcast %add3A_321 : i32 to vector<16xi32>
      %select_n3A_329 = arith.select %gt3A_326, %broadcast_in_dim3A_328, %scan3A_244 : vector<16xi1>, vector<16xi32>
      %mul3A_330 = arith.constant 8 : i32
      %mul3A_331 = arith.muli %scan3A_230, %mul3A_330 : i32
      %add3A_332 = arith.constant 512 : i32
      %add3A_333 = arith.addi %add3A_332, %mul3A_331 : i32
      %add3A_334 = arith.constant 6 : i32
      %add3A_335 = arith.addi %add3A_333, %add3A_334 : i32
      %mul3A_336 = arith.constant 16 : i32
      %mul3A_337 = arith.muli %add3A_335, %mul3A_336 : i32
      %get3A_338 = arith.index_cast %mul3A_337 : i32 to index
      %get3A_339 = tpu.vector_load %arg4[%get3A_338] {strides = array<i32>} : memref<32768xf32, #tpu.memory_space<vmem>>, vector<16xf32>,
      %gt3A_340 = arith.cmpf ogt, %get3A_339, %scan3A_237 : vector<16xf32>
      %select_n3A_341 = arith.select %gt3A_340, %get3A_339, %scan3A_237 : vector<16xi1>, vector<16xf32>
      %broadcast_in_dim3A_342 = vector.broadcast %add3A_335 : i32 to vector<16xi32>
      %select_n3A_343 = arith.select %gt3A_340, %broadcast_in_dim3A_342, %scan3A_245 : vector<16xi1>, vector<16xi32>
      %mul3A_344 = arith.constant 8 : i32
      %mul3A_345 = arith.muli %scan3A_230, %mul3A_344 : i32
      %add3A_346 = arith.constant 512 : i32
      %add3A_347 = arith.addi %add3A_346, %mul3A_345 : i32
      %add3A_348 = arith.constant 7 : i32
      %add3A_349 = arith.addi %add3A_347, %add3A_348 : i32
      %mul3A_350 = arith.constant 16 : i32
      %mul3A_351 = arith.muli %add3A_349, %mul3A_350 : i32
      %get3A_352 = arith.index_cast %mul3A_351 : i32 to index
      %get3A_353 = tpu.vector_load %arg4[%get3A_352] {strides = array<i32>} : memref<32768xf32, #tpu.memory_space<vmem>>, vector<16xf32>,
      %gt3A_354 = arith.cmpf ogt, %get3A_353, %scan3A_238 : vector<16xf32>
      %select_n3A_355 = arith.select %gt3A_354, %get3A_353, %scan3A_238 : vector<16xi1>, vector<16xf32>
      %broadcast_in_dim3A_356 = vector.broadcast %add3A_349 : i32 to vector<16xi32>
      %select_n3A_357 = arith.select %gt3A_354, %broadcast_in_dim3A_356, %scan3A_246 : vector<16xi1>, vector<16xi32>
      scf.yield %select_n3A_257, %select_n3A_271, %select_n3A_285, %select_n3A_299, %select_n3A_313, %select_n3A_327, %select_n3A_341, %select_n3A_355, %select_n3A_259, %select_n3A_273, %select_n3A_287, %select_n3A_301, %select_n3A_315, %select_n3A_329, %select_n3A_343, %select_n3A_357 : vector<16xf32>, vector<16xf32>, vector<16xf32>, vector<16xf32>, vector<16xf32>, vector<16xf32>, vector<16xf32>, vector<16xf32>, vector<16xi32>, vector<16xi32>, vector<16xi32>, vector<16xi32>, vector<16xi32>, vector<16xi32>, vector<16xi32>, vector<16xi32>
    }
    %scan3A_142 = arith.constant 64 : i32
    %dma_wait3A_143 = arith.constant 16384 : i32
    %dma_wait3A_144 = tpu.memref_slice %arg4[%dma_wait3A_143] : memref<32768xf32, #tpu.memory_space<vmem>> -> memref<16384xf32, #tpu.memory_space<vmem>>
    %dma_wait3A_145 = arith.constant 16384 : i32
    %dma_wait3A_146 = tpu.memref_slice %arg2[%add3A, %dma_wait3A_145] : memref<64x32768xf32, #tpu.memory_space<hbm>> -> memref<1x16384xf32, #tpu.memory_space<hbm>>
    %dma_wait3A_147 = tpu.memref_squeeze %dma_wait3A_146 : memref<1x16384xf32, #tpu.memory_space<hbm>> -> memref<16384xf32, #tpu.memory_space<hbm>>
    %dma_wait3A_148 = arith.constant 16384 : i32
    %dma_wait3A_149 = tpu.memref_slice %arg4[%dma_wait3A_148] : memref<32768xf32, #tpu.memory_space<vmem>> -> memref<16384xf32, #tpu.memory_space<vmem>>
    %dma_wait3A_150 = arith.constant 16384 : i32
    %dma_wait3A_151 = tpu.memref_slice %arg2[%add3A, %dma_wait3A_150] : memref<64x32768xf32, #tpu.memory_space<hbm>> -> memref<1x16384xf32, #tpu.memory_space<hbm>>
    %dma_wait3A_152 = tpu.memref_squeeze %dma_wait3A_151 : memref<1x16384xf32, #tpu.memory_space<hbm>> -> memref<16384xf32, #tpu.memory_space<hbm>>
    tpu.wait_dma2 semaphore(%arg10 : memref<!tpu.dma_semaphore, #tpu.memory_space<semaphore_mem>>) src(%dma_wait3A_152 : memref<16384xf32, #tpu.memory_space<hbm>>) dst(%dma_wait3A_149 : memref<16384xf32, #tpu.memory_space<vmem>>)
    %scan3A_153 = arith.constant 0 : i32
    %scan3A_154 = arith.constant 128 : i32
    %scan3A_155 = arith.addi %scan3A_153, %scan3A_154 : i32
    %scan3A_156 = arith.constant 1 : i32
    %scan3A_157:16 = scf.for %scan3A_230 = %scan3A_153 to %scan3A_155 step %scan3A_156 iter_args(%scan3A_231 = %scan3A_141#0, %scan3A_232 = %scan3A_141#1, %scan3A_233 = %scan3A_141#2, %scan3A_234 = %scan3A_141#3, %scan3A_235 = %scan3A_141#4, %scan3A_236 = %scan3A_141#5, %scan3A_237 = %scan3A_141#6, %scan3A_238 = %scan3A_141#7, %scan3A_239 = %scan3A_141#8, %scan3A_240 = %scan3A_141#9, %scan3A_241 = %scan3A_141#10, %scan3A_242 = %scan3A_141#11, %scan3A_243 = %scan3A_141#12, %scan3A_244 = %scan3A_141#13, %scan3A_245 = %scan3A_141#14, %scan3A_246 = %scan3A_141#15) -> (vector<16xf32>, vector<16xf32>, vector<16xf32>, vector<16xf32>, vector<16xf32>, vector<16xf32>, vector<16xf32>, vector<16xf32>, vector<16xi32>, vector<16xi32>, vector<16xi32>, vector<16xi32>, vector<16xi32>, vector<16xi32>, vector<16xi32>, vector<16xi32>)  : i32 {
      %mul3A_247 = arith.constant 8 : i32
      %mul3A_248 = arith.muli %scan3A_230, %mul3A_247 : i32
      %add3A_249 = arith.constant 1024 : i32
      %add3A_250 = arith.addi %add3A_249, %mul3A_248 : i32
      %add3A_251 = arith.constant 0 : i32
      %add3A_252 = arith.addi %add3A_250, %add3A_251 : i32
      %mul3A_253 = arith.constant 16 : i32
      %mul3A_254 = arith.muli %add3A_252, %mul3A_253 : i32
      %get3A = arith.index_cast %mul3A_254 : i32 to index
      %get3A_255 = tpu.vector_load %arg4[%get3A] {strides = array<i32>} : memref<32768xf32, #tpu.memory_space<vmem>>, vector<16xf32>,
      %gt3A_256 = arith.cmpf ogt, %get3A_255, %scan3A_231 : vector<16xf32>
      %select_n3A_257 = arith.select %gt3A_256, %get3A_255, %scan3A_231 : vector<16xi1>, vector<16xf32>
      %broadcast_in_dim3A_258 = vector.broadcast %add3A_252 : i32 to vector<16xi32>
      %select_n3A_259 = arith.select %gt3A_256, %broadcast_in_dim3A_258, %scan3A_239 : vector<16xi1>, vector<16xi32>
      %mul3A_260 = arith.constant 8 : i32
      %mul3A_261 = arith.muli %scan3A_230, %mul3A_260 : i32
      %add3A_262 = arith.constant 1024 : i32
      %add3A_263 = arith.addi %add3A_262, %mul3A_261 : i32
      %add3A_264 = arith.constant 1 : i32
      %add3A_265 = arith.addi %add3A_263, %add3A_264 : i32
      %mul3A_266 = arith.constant 16 : i32
      %mul3A_267 = arith.muli %add3A_265, %mul3A_266 : i32
      %get3A_268 = arith.index_cast %mul3A_267 : i32 to index
      %get3A_269 = tpu.vector_load %arg4[%get3A_268] {strides = array<i32>} : memref<32768xf32, #tpu.memory_space<vmem>>, vector<16xf32>,
      %gt3A_270 = arith.cmpf ogt, %get3A_269, %scan3A_232 : vector<16xf32>
      %select_n3A_271 = arith.select %gt3A_270, %get3A_269, %scan3A_232 : vector<16xi1>, vector<16xf32>
      %broadcast_in_dim3A_272 = vector.broadcast %add3A_265 : i32 to vector<16xi32>
      %select_n3A_273 = arith.select %gt3A_270, %broadcast_in_dim3A_272, %scan3A_240 : vector<16xi1>, vector<16xi32>
      %mul3A_274 = arith.constant 8 : i32
      %mul3A_275 = arith.muli %scan3A_230, %mul3A_274 : i32
      %add3A_276 = arith.constant 1024 : i32
      %add3A_277 = arith.addi %add3A_276, %mul3A_275 : i32
      %add3A_278 = arith.constant 2 : i32
      %add3A_279 = arith.addi %add3A_277, %add3A_278 : i32
      %mul3A_280 = arith.constant 16 : i32
      %mul3A_281 = arith.muli %add3A_279, %mul3A_280 : i32
      %get3A_282 = arith.index_cast %mul3A_281 : i32 to index
      %get3A_283 = tpu.vector_load %arg4[%get3A_282] {strides = array<i32>} : memref<32768xf32, #tpu.memory_space<vmem>>, vector<16xf32>,
      %gt3A_284 = arith.cmpf ogt, %get3A_283, %scan3A_233 : vector<16xf32>
      %select_n3A_285 = arith.select %gt3A_284, %get3A_283, %scan3A_233 : vector<16xi1>, vector<16xf32>
      %broadcast_in_dim3A_286 = vector.broadcast %add3A_279 : i32 to vector<16xi32>
      %select_n3A_287 = arith.select %gt3A_284, %broadcast_in_dim3A_286, %scan3A_241 : vector<16xi1>, vector<16xi32>
      %mul3A_288 = arith.constant 8 : i32
      %mul3A_289 = arith.muli %scan3A_230, %mul3A_288 : i32
      %add3A_290 = arith.constant 1024 : i32
      %add3A_291 = arith.addi %add3A_290, %mul3A_289 : i32
      %add3A_292 = arith.constant 3 : i32
      %add3A_293 = arith.addi %add3A_291, %add3A_292 : i32
      %mul3A_294 = arith.constant 16 : i32
      %mul3A_295 = arith.muli %add3A_293, %mul3A_294 : i32
      %get3A_296 = arith.index_cast %mul3A_295 : i32 to index
      %get3A_297 = tpu.vector_load %arg4[%get3A_296] {strides = array<i32>} : memref<32768xf32, #tpu.memory_space<vmem>>, vector<16xf32>,
      %gt3A_298 = arith.cmpf ogt, %get3A_297, %scan3A_234 : vector<16xf32>
      %select_n3A_299 = arith.select %gt3A_298, %get3A_297, %scan3A_234 : vector<16xi1>, vector<16xf32>
      %broadcast_in_dim3A_300 = vector.broadcast %add3A_293 : i32 to vector<16xi32>
      %select_n3A_301 = arith.select %gt3A_298, %broadcast_in_dim3A_300, %scan3A_242 : vector<16xi1>, vector<16xi32>
      %mul3A_302 = arith.constant 8 : i32
      %mul3A_303 = arith.muli %scan3A_230, %mul3A_302 : i32
      %add3A_304 = arith.constant 1024 : i32
      %add3A_305 = arith.addi %add3A_304, %mul3A_303 : i32
      %add3A_306 = arith.constant 4 : i32
      %add3A_307 = arith.addi %add3A_305, %add3A_306 : i32
      %mul3A_308 = arith.constant 16 : i32
      %mul3A_309 = arith.muli %add3A_307, %mul3A_308 : i32
      %get3A_310 = arith.index_cast %mul3A_309 : i32 to index
      %get3A_311 = tpu.vector_load %arg4[%get3A_310] {strides = array<i32>} : memref<32768xf32, #tpu.memory_space<vmem>>, vector<16xf32>,
      %gt3A_312 = arith.cmpf ogt, %get3A_311, %scan3A_235 : vector<16xf32>
      %select_n3A_313 = arith.select %gt3A_312, %get3A_311, %scan3A_235 : vector<16xi1>, vector<16xf32>
      %broadcast_in_dim3A_314 = vector.broadcast %add3A_307 : i32 to vector<16xi32>
      %select_n3A_315 = arith.select %gt3A_312, %broadcast_in_dim3A_314, %scan3A_243 : vector<16xi1>, vector<16xi32>
      %mul3A_316 = arith.constant 8 : i32
      %mul3A_317 = arith.muli %scan3A_230, %mul3A_316 : i32
      %add3A_318 = arith.constant 1024 : i32
      %add3A_319 = arith.addi %add3A_318, %mul3A_317 : i32
      %add3A_320 = arith.constant 5 : i32
      %add3A_321 = arith.addi %add3A_319, %add3A_320 : i32
      %mul3A_322 = arith.constant 16 : i32
      %mul3A_323 = arith.muli %add3A_321, %mul3A_322 : i32
      %get3A_324 = arith.index_cast %mul3A_323 : i32 to index
      %get3A_325 = tpu.vector_load %arg4[%get3A_324] {strides = array<i32>} : memref<32768xf32, #tpu.memory_space<vmem>>, vector<16xf32>,
      %gt3A_326 = arith.cmpf ogt, %get3A_325, %scan3A_236 : vector<16xf32>
      %select_n3A_327 = arith.select %gt3A_326, %get3A_325, %scan3A_236 : vector<16xi1>, vector<16xf32>
      %broadcast_in_dim3A_328 = vector.broadcast %add3A_321 : i32 to vector<16xi32>
      %select_n3A_329 = arith.select %gt3A_326, %broadcast_in_dim3A_328, %scan3A_244 : vector<16xi1>, vector<16xi32>
      %mul3A_330 = arith.constant 8 : i32
      %mul3A_331 = arith.muli %scan3A_230, %mul3A_330 : i32
      %add3A_332 = arith.constant 1024 : i32
      %add3A_333 = arith.addi %add3A_332, %mul3A_331 : i32
      %add3A_334 = arith.constant 6 : i32
      %add3A_335 = arith.addi %add3A_333, %add3A_334 : i32
      %mul3A_336 = arith.constant 16 : i32
      %mul3A_337 = arith.muli %add3A_335, %mul3A_336 : i32
      %get3A_338 = arith.index_cast %mul3A_337 : i32 to index
      %get3A_339 = tpu.vector_load %arg4[%get3A_338] {strides = array<i32>} : memref<32768xf32, #tpu.memory_space<vmem>>, vector<16xf32>,
      %gt3A_340 = arith.cmpf ogt, %get3A_339, %scan3A_237 : vector<16xf32>
      %select_n3A_341 = arith.select %gt3A_340, %get3A_339, %scan3A_237 : vector<16xi1>, vector<16xf32>
      %broadcast_in_dim3A_342 = vector.broadcast %add3A_335 : i32 to vector<16xi32>
      %select_n3A_343 = arith.select %gt3A_340, %broadcast_in_dim3A_342, %scan3A_245 : vector<16xi1>, vector<16xi32>
      %mul3A_344 = arith.constant 8 : i32
      %mul3A_345 = arith.muli %scan3A_230, %mul3A_344 : i32
      %add3A_346 = arith.constant 1024 : i32
      %add3A_347 = arith.addi %add3A_346, %mul3A_345 : i32
      %add3A_348 = arith.constant 7 : i32
      %add3A_349 = arith.addi %add3A_347, %add3A_348 : i32
      %mul3A_350 = arith.constant 16 : i32
      %mul3A_351 = arith.muli %add3A_349, %mul3A_350 : i32
      %get3A_352 = arith.index_cast %mul3A_351 : i32 to index
      %get3A_353 = tpu.vector_load %arg4[%get3A_352] {strides = array<i32>} : memref<32768xf32, #tpu.memory_space<vmem>>, vector<16xf32>,
      %gt3A_354 = arith.cmpf ogt, %get3A_353, %scan3A_238 : vector<16xf32>
      %select_n3A_355 = arith.select %gt3A_354, %get3A_353, %scan3A_238 : vector<16xi1>, vector<16xf32>
      %broadcast_in_dim3A_356 = vector.broadcast %add3A_349 : i32 to vector<16xi32>
      %select_n3A_357 = arith.select %gt3A_354, %broadcast_in_dim3A_356, %scan3A_246 : vector<16xi1>, vector<16xi32>
      scf.yield %select_n3A_257, %select_n3A_271, %select_n3A_285, %select_n3A_299, %select_n3A_313, %select_n3A_327, %select_n3A_341, %select_n3A_355, %select_n3A_259, %select_n3A_273, %select_n3A_287, %select_n3A_301, %select_n3A_315, %select_n3A_329, %select_n3A_343, %select_n3A_357 : vector<16xf32>, vector<16xf32>, vector<16xf32>, vector<16xf32>, vector<16xf32>, vector<16xf32>, vector<16xf32>, vector<16xf32>, vector<16xi32>, vector<16xi32>, vector<16xi32>, vector<16xi32>, vector<16xi32>, vector<16xi32>, vector<16xi32>, vector<16xi32>
    }
    %scan3A_158 = arith.constant 128 : i32
    %gt3A = arith.cmpf ogt, %scan3A_157#1, %scan3A_157#0 : vector<16xf32>
    %eq3A = arith.cmpf oeq, %scan3A_157#1, %scan3A_157#0 : vector<16xf32>
    %lt3A = arith.cmpi slt, %scan3A_157#9, %scan3A_157#8 : vector<16xi32>
    %and3A = arith.andi %eq3A, %lt3A : vector<16xi1>
    %or3A = arith.ori %gt3A, %and3A : vector<16xi1>
    %select_n3A = arith.select %or3A, %scan3A_157#1, %scan3A_157#0 : vector<16xi1>, vector<16xf32>
    %select_n3A_159 = arith.select %or3A, %scan3A_157#9, %scan3A_157#8 : vector<16xi1>, vector<16xi32>
    %gt3A_160 = arith.cmpf ogt, %scan3A_157#2, %select_n3A : vector<16xf32>
    %eq3A_161 = arith.cmpf oeq, %scan3A_157#2, %select_n3A : vector<16xf32>
    %lt3A_162 = arith.cmpi slt, %scan3A_157#10, %select_n3A_159 : vector<16xi32>
    %and3A_163 = arith.andi %eq3A_161, %lt3A_162 : vector<16xi1>
    %or3A_164 = arith.ori %gt3A_160, %and3A_163 : vector<16xi1>
    %select_n3A_165 = arith.select %or3A_164, %scan3A_157#2, %select_n3A : vector<16xi1>, vector<16xf32>
    %select_n3A_166 = arith.select %or3A_164, %scan3A_157#10, %select_n3A_159 : vector<16xi1>, vector<16xi32>
    %gt3A_167 = arith.cmpf ogt, %scan3A_157#3, %select_n3A_165 : vector<16xf32>
    %eq3A_168 = arith.cmpf oeq, %scan3A_157#3, %select_n3A_165 : vector<16xf32>
    %lt3A_169 = arith.cmpi slt, %scan3A_157#11, %select_n3A_166 : vector<16xi32>
    %and3A_170 = arith.andi %eq3A_168, %lt3A_169 : vector<16xi1>
    %or3A_171 = arith.ori %gt3A_167, %and3A_170 : vector<16xi1>
    %select_n3A_172 = arith.select %or3A_171, %scan3A_157#3, %select_n3A_165 : vector<16xi1>, vector<16xf32>
    %select_n3A_173 = arith.select %or3A_171, %scan3A_157#11, %select_n3A_166 : vector<16xi1>, vector<16xi32>
    %gt3A_174 = arith.cmpf ogt, %scan3A_157#4, %select_n3A_172 : vector<16xf32>
    %eq3A_175 = arith.cmpf oeq, %scan3A_157#4, %select_n3A_172 : vector<16xf32>
    %lt3A_176 = arith.cmpi slt, %scan3A_157#12, %select_n3A_173 : vector<16xi32>
    %and3A_177 = arith.andi %eq3A_175, %lt3A_176 : vector<16xi1>
    %or3A_178 = arith.ori %gt3A_174, %and3A_177 : vector<16xi1>
    %select_n3A_179 = arith.select %or3A_178, %scan3A_157#4, %select_n3A_172 : vector<16xi1>, vector<16xf32>
    %select_n3A_180 = arith.select %or3A_178, %scan3A_157#12, %select_n3A_173 : vector<16xi1>, vector<16xi32>
    %gt3A_181 = arith.cmpf ogt, %scan3A_157#5, %select_n3A_179 : vector<16xf32>
    %eq3A_182 = arith.cmpf oeq, %scan3A_157#5, %select_n3A_179 : vector<16xf32>
    %lt3A_183 = arith.cmpi slt, %scan3A_157#13, %select_n3A_180 : vector<16xi32>
    %and3A_184 = arith.andi %eq3A_182, %lt3A_183 : vector<16xi1>
    %or3A_185 = arith.ori %gt3A_181, %and3A_184 : vector<16xi1>
    %select_n3A_186 = arith.select %or3A_185, %scan3A_157#5, %select_n3A_179 : vector<16xi1>, vector<16xf32>
    %select_n3A_187 = arith.select %or3A_185, %scan3A_157#13, %select_n3A_180 : vector<16xi1>, vector<16xi32>
    %gt3A_188 = arith.cmpf ogt, %scan3A_157#6, %select_n3A_186 : vector<16xf32>
    %eq3A_189 = arith.cmpf oeq, %scan3A_157#6, %select_n3A_186 : vector<16xf32>
    %lt3A_190 = arith.cmpi slt, %scan3A_157#14, %select_n3A_187 : vector<16xi32>
    %and3A_191 = arith.andi %eq3A_189, %lt3A_190 : vector<16xi1>
    %or3A_192 = arith.ori %gt3A_188, %and3A_191 : vector<16xi1>
    %select_n3A_193 = arith.select %or3A_192, %scan3A_157#6, %select_n3A_186 : vector<16xi1>, vector<16xf32>
    %select_n3A_194 = arith.select %or3A_192, %scan3A_157#14, %select_n3A_187 : vector<16xi1>, vector<16xi32>
    %gt3A_195 = arith.cmpf ogt, %scan3A_157#7, %select_n3A_193 : vector<16xf32>
    %eq3A_196 = arith.cmpf oeq, %scan3A_157#7, %select_n3A_193 : vector<16xf32>
    %lt3A_197 = arith.cmpi slt, %scan3A_157#15, %select_n3A_194 : vector<16xi32>
    %and3A_198 = arith.andi %eq3A_196, %lt3A_197 : vector<16xi1>
    %or3A_199 = arith.ori %gt3A_195, %and3A_198 : vector<16xi1>
    %select_n3A_200 = arith.select %or3A_199, %scan3A_157#7, %select_n3A_193 : vector<16xi1>, vector<16xf32>
    %select_n3A_201 = arith.select %or3A_199, %scan3A_157#15, %select_n3A_194 : vector<16xi1>, vector<16xi32>
    %iota3A = tpu.iota {dimensions = array<i32: 0>} : vector<16xi32>
    %mul3A_202 = arith.constant 16 : i32
    %mul3A_203 = vector.broadcast %mul3A_202 : i32 to vector<16xi32>
    %mul3A_204 = arith.muli %select_n3A_201, %mul3A_203 : vector<16xi32>
    %add3A_205 = arith.addi %mul3A_204, %iota3A : vector<16xi32>
    %reduce_max3A = arith.constant true
    %reduce_max3A_206 = vector.broadcast %reduce_max3A : i1 to vector<16xi1>
    %reduce_max3A_207 = tpu.scan <max>, %select_n3A_200 masked %reduce_max3A_206 : vector<16xf32>, vector<16xi1> -> vector<16xf32>
    %reduce_max3A_208 = vector.extract %reduce_max3A_207[15] : f32 from vector<16xf32>
    %eq3A_209 = vector.broadcast %reduce_max3A_208 : f32 to vector<16xf32>
    %eq3A_210 = arith.cmpf oeq, %select_n3A_200, %eq3A_209 : vector<16xf32>
    %broadcast_in_dim3A_211 = arith.constant 2147483647 : i32
    %broadcast_in_dim3A_212 = vector.broadcast %broadcast_in_dim3A_211 : i32 to vector<16xi32>
    %select_n3A_213 = arith.select %eq3A_210, %add3A_205, %broadcast_in_dim3A_212 : vector<16xi1>, vector<16xi32>
    %reduce_min3A = arith.constant true
    %reduce_min3A_214 = vector.broadcast %reduce_min3A : i1 to vector<16xi1>
    %reduce_min3A_215 = arith.constant -2147483648 : i32
    %reduce_min3A_216 = vector.broadcast %reduce_min3A_215 : i32 to vector<16xi32>
    %reduce_min3A_217 = arith.xori %select_n3A_213, %reduce_min3A_216 : vector<16xi32>
    %reduce_min3A_218 = tpu.scan <min>, %reduce_min3A_217 masked %reduce_min3A_214 : vector<16xi32>, vector<16xi1> -> vector<16xi32>
    %reduce_min3A_219 = arith.xori %reduce_min3A_218, %reduce_min3A_216 : vector<16xi32>
    %reduce_min3A_220 = vector.extract %reduce_min3A_219[15] : i32 from vector<16xi32>
    %iota3A_221 = tpu.iota {dimensions = array<i32: 0>} : vector<16xi32>
    %eq3A_222 = arith.constant 0 : i32
    %eq3A_223 = vector.broadcast %eq3A_222 : i32 to vector<16xi32>
    %eq3A_224 = arith.cmpi eq, %iota3A_221, %eq3A_223 : vector<16xi32>
    %broadcast_in_dim3A_225 = vector.broadcast %reduce_min3A_220 : i32 to vector<16xi32>
    %broadcast_in_dim3A_226 = arith.constant 0 : i32
    %broadcast_in_dim3A_227 = vector.broadcast %broadcast_in_dim3A_226 : i32 to vector<16xi32>
    %select_n3A_228 = arith.select %eq3A_224, %broadcast_in_dim3A_225, %broadcast_in_dim3A_227 : vector<16xi1>, vector<16xi32>
    %swap3A = arith.constant 0 : index
    %swap3A_229 = tpu.vector_load %arg5[%swap3A] {strides = array<i32>} : memref<16xi32, #tpu.memory_space<vmem>>, vector<16xi32>,
    tpu.vector_store %arg5[%swap3A], %select_n3A_228 {strides = array<i32>} : memref<16xi32, #tpu.memory_space<vmem>>, vector<16xi32>,
    "tpu.region"() ({
      %run_scoped3A = tpu.sem_alloc : memref<!tpu.dma_semaphore, #tpu.memory_space<semaphore_mem>>
      %dma_start3A_230 = arith.constant 0 : i32
      %dma_start3A_231 = tpu.memref_slice %arg3[%add3A, %dma_start3A_230] : memref<32x16xi32, #tpu.memory_space<hbm>> -> memref<1x16xi32, #tpu.memory_space<hbm>>
      %dma_start3A_232 = tpu.memref_squeeze %dma_start3A_231 : memref<1x16xi32, #tpu.memory_space<hbm>> -> memref<16xi32, #tpu.memory_space<hbm>>
      %dma_start3A_233 = arith.constant 0 : i32
      %dma_start3A_234 = tpu.memref_slice %arg3[%add3A, %dma_start3A_233] : memref<32x16xi32, #tpu.memory_space<hbm>> -> memref<1x16xi32, #tpu.memory_space<hbm>>
      %dma_start3A_235 = tpu.memref_squeeze %dma_start3A_234 : memref<1x16xi32, #tpu.memory_space<hbm>> -> memref<16xi32, #tpu.memory_space<hbm>>
      tpu.enqueue_dma source(%arg5 : memref<16xi32, #tpu.memory_space<vmem>>) target(%dma_start3A_235 : memref<16xi32, #tpu.memory_space<hbm>>) target_semaphore(%run_scoped3A : memref<!tpu.dma_semaphore, #tpu.memory_space<semaphore_mem>>)
      %dma_wait3A_236 = arith.constant 0 : i32
      %dma_wait3A_237 = tpu.memref_slice %arg3[%add3A, %dma_wait3A_236] : memref<32x16xi32, #tpu.memory_space<hbm>> -> memref<1x16xi32, #tpu.memory_space<hbm>>
      %dma_wait3A_238 = tpu.memref_squeeze %dma_wait3A_237 : memref<1x16xi32, #tpu.memory_space<hbm>> -> memref<16xi32, #tpu.memory_space<hbm>>
      %dma_wait3A_239 = arith.constant 0 : i32
      %dma_wait3A_240 = tpu.memref_slice %arg3[%add3A, %dma_wait3A_239] : memref<32x16xi32, #tpu.memory_space<hbm>> -> memref<1x16xi32, #tpu.memory_space<hbm>>
      %dma_wait3A_241 = tpu.memref_squeeze %dma_wait3A_240 : memref<1x16xi32, #tpu.memory_space<hbm>> -> memref<16xi32, #tpu.memory_space<hbm>>
      tpu.wait_dma2 semaphore(%run_scoped3A : memref<!tpu.dma_semaphore, #tpu.memory_space<semaphore_mem>>) src(%arg5 : memref<16xi32, #tpu.memory_space<vmem>>) dst(%dma_wait3A_241 : memref<16xi32, #tpu.memory_space<hbm>>)
      tpu.yield
    }) : () -> ()
    return
  }
}

module attributes {stable_mosaic.version = 14 : i64} {
  func.func @_tc_argmax_kernel(%arg0: i32, %arg1: memref<32x32768xf32, #tpu.memory_space<vmem>>, %arg2: memref<32xi32, #tpu.memory_space<vmem>>) attributes {dimension_semantics = [#tpu.dimension_semantics<arbitrary>], iteration_bounds = array<i64: 1>, scalar_prefetch = 0 : i64, scratch_operands = 0 : i64, tpu.core_type = #tpu.core_type<tc>, window_params = [{transform_indices = @transform_0, window_bounds = array<i64: 32, 32768>}, {pipeline_mode = #tpu.pipeline_mode<synchronous>, transform_indices = @transform_1, window_bounds = array<i64: 32>}]} {
    %get3A = arith.constant 0 : index
    %get3A_0 = arith.constant 0 : index
    %get3A_1 = vector.load %arg1[%get3A, %get3A_0] : memref<32x32768xf32, #tpu.memory_space<vmem>>, vector<32x32768xf32>
    %reduce_max3A = arith.constant dense<0xFF800000> : vector<32xf32>
    %reduce_max3A_2 = vector.multi_reduction <maximumf>, %get3A_1, %reduce_max3A [1] : vector<32x32768xf32> to vector<32xf32>
    %broadcast_in_dim3A = vector.shape_cast %reduce_max3A_2 : vector<32xf32> to vector<32x1xf32>
    %iota3A = tpu.iota {dimensions = array<i32: 1>} : vector<32x32768xi32>
    %eq3A = vector.broadcast %broadcast_in_dim3A : vector<32x1xf32> to vector<32x32768xf32>
    %eq3A_3 = arith.cmpf oeq, %get3A_1, %eq3A : vector<32x32768xf32>
    %jit3A = arith.constant 2147483647 : i32
    %broadcast_in_dim3A_4 = vector.broadcast %jit3A : i32 to vector<32x32768xi32>
    %select_n3A = arith.select %eq3A_3, %iota3A, %broadcast_in_dim3A_4 : vector<32x32768xi1>, vector<32x32768xi32>
    %reduce_min3A = arith.constant dense<2147483647> : vector<32xi32>
    %reduce_min3A_5 = vector.multi_reduction <minsi>, %select_n3A, %reduce_min3A [1] : vector<32x32768xi32> to vector<32xi32>
    %swap3A = arith.constant 0 : index
    %swap3A_6 = vector.load %arg2[%swap3A] : memref<32xi32, #tpu.memory_space<vmem>>, vector<32xi32>
    tpu.vector_store %arg2[%swap3A], %reduce_min3A_5 {strides = array<i32>} : memref<32xi32, #tpu.memory_space<vmem>>, vector<32xi32>,
    return
  }
  func.func @transform_0(%arg0: i32) -> (i32, i32) {
    %c1_i32 = arith.constant 1 : i32
    %c0_i32 = arith.constant 0 : i32
    %c0_i32_0 = arith.constant 0 : i32
    return %c1_i32, %c0_i32 : i32, i32
  }
  func.func @transform_1(%arg0: i32) -> i32 {
    %c0_i32 = arith.constant 0 : i32
    %c0_i32_0 = arith.constant 0 : i32
    return %c0_i32 : i32
  }
}

module attributes {stable_mosaic.version = 14 : i64} {
  func.func @_combine_kernel(%arg0: memref<32x16xi32, #tpu.memory_space<vmem>>, %arg1: memref<32xi32, #tpu.memory_space<vmem>>, %arg2: memref<64xi32, #tpu.memory_space<vmem>>) attributes {dimension_semantics = [], scalar_prefetch = 0 : i64, scratch_operands = 0 : i64, tpu.core_type = #tpu.core_type<tc>} {
    %iota3A = tpu.iota {dimensions = array<i32: 1>} : vector<32x16xi32>
    %eq3A = arith.constant 0 : i32
    %eq3A_0 = vector.broadcast %eq3A : i32 to vector<32x16xi32>
    %eq3A_1 = arith.cmpi eq, %iota3A, %eq3A_0 : vector<32x16xi32>
    %get3A = arith.constant 0 : index
    %get3A_2 = arith.constant 0 : index
    %get3A_3 = vector.load %arg0[%get3A, %get3A_2] : memref<32x16xi32, #tpu.memory_space<vmem>>, vector<32x16xi32>
    %jit3A = arith.constant 0 : i32
    %broadcast_in_dim3A = vector.broadcast %jit3A : i32 to vector<32x16xi32>
    %select_n3A = arith.select %eq3A_1, %get3A_3, %broadcast_in_dim3A : vector<32x16xi1>, vector<32x16xi32>
    %reduce_sum3A = arith.constant dense<0> : vector<32xi32>
    %reduce_sum3A_4 = vector.multi_reduction <add>, %select_n3A, %reduce_sum3A [1] : vector<32x16xi32> to vector<32xi32>
    %swap3A = arith.constant 0 : index
    %swap3A_5 = vector.load %arg2[%swap3A] : memref<64xi32, #tpu.memory_space<vmem>>, vector<32xi32>
    tpu.vector_store %arg2[%swap3A], %reduce_sum3A_4 {strides = array<i32>} : memref<64xi32, #tpu.memory_space<vmem>>, vector<32xi32>,
    %get3A_6 = arith.constant 0 : index
    %get3A_7 = vector.load %arg1[%get3A_6] : memref<32xi32, #tpu.memory_space<vmem>>, vector<32xi32>
    %swap3A_8 = arith.constant 32 : index
    %swap3A_9 = vector.load %arg2[%swap3A_8] : memref<64xi32, #tpu.memory_space<vmem>>, vector<32xi32>
    tpu.vector_store %arg2[%swap3A_8], %get3A_7 {strides = array<i32>} : memref<64xi32, #tpu.memory_space<vmem>>, vector<32xi32>,
    return
  }
}

</mosaic_0001>

<sc_bundles>
// kernel: kernel.5.cloned.1.call-start
scs
__scs_entry_jumppad:
0x0: {  	(pc) =	sbr.rel $0x88, $3  }
0x1: {  	(tag) =	ssettag $0x0;
	lr =	simm.s32 $0x1  }
0x2: {  	[smem:$0x3FA0] =	sst lr;
	_ =	strace $0xD0000000  }
0x3: {  	_ = 	snop  }
0x4: {  	_ = 	snop  }
0x5: {  	_ = 	snop  }
0x6: {  	_ = 	snop  }
0x7: {  	_ = 	snop  }
__scs_overlays_trampoline_lowered:
0x8: {  	[smem:$0x3FAF] =	sst s0  }
0x9: {  	[smem:$0x3FB0] =	sst s1  }
0xa: {  	[smem:$0x3FB1] =	sst s2  }
0xb: {  	[smem:$0x3FB2] =	sst s3  }
0xc: {  	[smem:$0x3FB3] =	sst s4  }
0xd: {  	[smem:$0x3FB4] =	sst s5  }
0xe: {  	[smem:$0x3FB5] =	sst s6  }
0xf: {  	[smem:$0x3FB6] =	sst s7  }
0x10: {  	[smem:$0x3FB7] =	sst s8  }
0x11: {  	[smem:$0x3FB8] =	sst s9;
	s0 =	simm.s32 @!p0 $0x0  }
0x12: {  	s1 =	sld [smem:$0x3F9E];
	s0 =	simm.s32 @p0 $0x1  }
0x13: {  	[smem:$0x3FB9] =	sst s0;
	s0 =	simm.s32 @!p1 $0x0  }
0x14: {  	s2 =	sld [smem:$0x3F9D];
	s0 =	simm.s32 @p1 $0x1  }
0x15: {  	[smem:$0x3FBA] =	sst s0;
	s0 =	simm.s32 @!p2 $0x0  }
0x16: {  	s3 =	sld [smem:$0x3FDB];
	s0 =	simm.s32 @p2 $0x1  }
0x17: {  	s4 =	simm.s32 $0x1BF5;
	[smem:$0x3FBC] =	sst s0  }
0x18: {  	s0 =	sld [smem:$0x3F9F];
	_ =	swait.ge [sflag:s4], $0x0  }
0x19: {  	s7 =	sld [smem:$0x3FA0]  }
0x1a: {  	s8 =	sadd.s32 $0xFFFFE003, lr  }
0x1b: {  	s9 =	sadd.s32 $0xFFFFFEF7, lr;
	s5 =	simm.s32 $0xFFFFFFFF;
	p2 =	slt.u32 s8, $0xFFFFF086  }
0x1c: {  	p1 =	slt.u32 s9, $0xF7A;
	s5 =	simm.s32 @!p2 $0x0  }
0x1d: {  	s5 =	simm.s32 @p1 $0x1;
	p0 =	seq.s32 s7, s2  }
0x1e: {  	s7 =	smul.u32 @!p0 $0xF7A, s2;
	p2 =	seq.s32 @!p0 s5, $0x0  }
0x1f: {  	s9 =	smul.u32 $0xF7A, s1;
	s8 =	simm.s32 @!p0 $0x1BF5;
	p2 =	por !p2, p0  }
0x20: {  	[sflag:s8] =	ssyncset.s32 @!p0 $0xFFFFF086;
	s6 =	sadd.s32 @!p0 s3, s7;
	s7 =	simm.s32 @!p0 $0x108  }
0x21: {  	s3 =	sadd.s32 s3, s9;
	s6 =	sadd.s32 @!p0 $0x88, s6;
	s7 =	simm.s32 @p2 $0x1082  }
0x22: {  	[simem:s7], [sflag:s8] =	dma.local @!p0 [hbm:s6], $0xF7A  }
0x23: {  	s9 =	sor.u32 $0xD0000000, s2;
	s6 =	simm.s32 $0x108;
	_ =	swait.ge @!p0 [sflag:s8], $0x0  }
0x24: {  	s3 =	sadd.s32 $0x88, s3;
	s6 =	simm.s32 @!p1 $0x1082;
	[sflag:s4] =	ssyncset.s32 $0xFFFFF086  }
0x25: {  	[simem:s6], [sflag:s4] =	dma.local [hbm:s3], $0xF7A  }
0x26: {  	[smem:$0x3FA0] =	sst s1;
	(tag) =	ssettag s2;
	_ =	strace s9  }
0x27: {  	s1 =	sld [smem:$0x3FB0]  }
0x28: {  	s2 =	sld [smem:$0x3FB1]  }
0x29: {  	s4 =	sld [smem:$0x3FB3]  }
0x2a: {  	p0 =	seq.s32 s5, $0x0;
	s5 =	sld [smem:$0x3FB4]  }
0x2b: {  	s6 =	sld [smem:$0x3FB5]  }
0x2c: {  	s7 =	sld [smem:$0x3FB6]  }
0x2d: {  	s3 =	simm.s32 $0x108;
	s8 =	sld [smem:$0x3FB7]  }
0x2e: {  	s3 =	simm.s32 @!p0 $0x1082;
	s9 =	sld [smem:$0x3FB8]  }
0x2f: {  	lr =	sadd.s32 s0, s3;
	s0 =	sld [smem:$0x3FAF]  }
0x30: {  	s3 =	sld [smem:$0x3FB2]  }
0x31: {  	[smem:$0x3FBB] =	sst s10  }
0x32: {  	s10 =	sld [smem:$0x3FB9];
	_ =	sdelay $0x3  }
0x33: {  	p0 =	seq.s32 s10, $0x1;
	s10 =	sld [smem:$0x3FBB];
	_ =	sdelay $0x3  }
0x34: {  	[smem:$0x3FBB] =	sst s10  }
0x35: {  	s10 =	sld [smem:$0x3FBA];
	_ =	sdelay $0x3  }
0x36: {  	p1 =	seq.s32 s10, $0x1;
	s10 =	sld [smem:$0x3FBB];
	_ =	sdelay $0x3  }
0x37: {  	[smem:$0x3FBB] =	sst s10  }
0x38: {  	s10 =	sld [smem:$0x3FBC]  }
0x39: {  	_ = 	snop;
	(pc) =	sbr.ind lr, $3  }
0x3a: {  	_ = 	snop  }
0x3b: {  	_ = 	snop  }
0x3c: {  	p2 =	seq.s32 s10, $0x1;
	s10 =	sld [smem:$0x3FBB]  }
0x3d: {  	_ =	shalt  }
0x3e: {  	_ =	shalt  }
0x3f: {  	_ =	shalt  }
0x40: {  	_ =	shalt  }
0x41: {  	_ =	shalt  }
0x42: {  	_ =	shalt  }
0x43: {  	_ =	shalt  }
0x44: {  	_ =	shalt  }
0x45: {  	_ =	shalt  }
0x46: {  	_ =	shalt  }
0x47: {  	_ =	shalt  }
0x48: {  	_ =	shalt  }
0x49: {  	_ =	shalt  }
0x4a: {  	_ =	shalt  }
0x4b: {  	_ =	shalt  }
0x4c: {  	_ =	shalt  }
0x4d: {  	_ =	shalt  }
0x4e: {  	_ =	shalt  }
0x4f: {  	_ =	shalt  }
0x50: {  	_ =	shalt  }
0x51: {  	_ =	shalt  }
0x52: {  	_ =	shalt  }
0x53: {  	_ =	shalt  }
0x54: {  	_ =	shalt  }
0x55: {  	_ =	shalt  }
0x56: {  	_ =	shalt  }
0x57: {  	_ =	shalt  }
0x58: {  	_ =	shalt  }
0x59: {  	_ =	shalt  }
0x5a: {  	_ =	shalt  }
0x5b: {  	_ =	shalt  }
0x5c: {  	_ =	shalt  }
0x5d: {  	_ =	shalt  }
0x5e: {  	_ =	shalt  }
0x5f: {  	_ =	shalt  }
0x60: {  	_ =	shalt  }
0x61: {  	_ =	shalt  }
0x62: {  	_ =	shalt  }
0x63: {  	_ =	shalt  }
0x64: {  	_ =	shalt  }
0x65: {  	_ =	shalt  }
0x66: {  	_ =	shalt  }
0x67: {  	_ =	shalt  }
0x68: {  	_ =	shalt  }
0x69: {  	_ =	shalt  }
0x6a: {  	_ =	shalt  }
0x6b: {  	_ =	shalt  }
0x6c: {  	_ =	shalt  }
0x6d: {  	_ =	shalt  }
0x6e: {  	_ =	shalt  }
0x6f: {  	_ =	shalt  }
0x70: {  	_ =	shalt  }
0x71: {  	_ =	shalt  }
0x72: {  	_ =	shalt  }
0x73: {  	_ =	shalt  }
0x74: {  	_ =	shalt  }
0x75: {  	_ =	shalt  }
0x76: {  	_ =	shalt  }
0x77: {  	_ =	shalt  }
0x78: {  	_ =	shalt  }
0x79: {  	_ =	shalt  }
0x7a: {  	_ =	shalt  }
0x7b: {  	_ =	shalt  }
0x7c: {  	_ =	shalt  }
0x7d: {  	_ =	shalt  }
0x7e: {  	_ =	shalt  }
0x7f: {  	_ =	shalt  }
0x80: {  	_ =	shalt  }
0x81: {  	_ =	shalt  }
0x82: {  	_ =	shalt  }
0x83: {  	_ =	shalt  }
0x84: {  	_ =	shalt  }
0x85: {  	_ =	shalt  }
0x86: {  	_ =	shalt  }
0x87: {  	_ =	shalt  }
.Lfunc_end0:
.L_simem_size_0:
called_computation_lowered:
.L_overlay_start_0:
0x88: {  	s2 =	sld [smem:$0x3FD9]  }
0x89: {  	s3 =	sld [smem:$0x3FFE];
	_ =	sdelay $0x1  }
0x8a: {  	s1 =	srdreg.scid  }
0x8b: {  	s0 =	sand.u32 $0x1, s1  }
0x8c: {  	s17 =	sshll.u32 s0, $0xA;
	s2 =	sadd.s32 s3, s2  }
0x8d: {  	s2 =	sadd.s32 s2, s17  }
0x8e: {  	[smem:$0x3FC7] =	sst s2  }
0x8f: {  	_ = 	snop  }
0x90: {  	s2 =	sld [smem:$0x3FC9];
	(tm) =	ssettm $0x1  }
0x91: {  	s18 =	sld [smem:$0x3FFB];
	_ =	sdelay $0x3  }
0x92: {  	_ =	strace s18  }
0x93: {  	s3 =	sld [smem:$0x3FFC];
	_ =	sdelay $0x3  }
0x94: {  	_ =	strace s3  }
0x95: {  	s3 =	sld [smem:$0x3FFD];
	_ =	sdelay $0x3  }
0x96: {  	_ =	strace s3  }
0x97: {  	_ =	strace $0x8FFFFFFF  }
0x98: {  	s19 =	sld [smem:$0x3FDB];
	_ =	sdelay $0x1  }
0x99: {  	s4 =	simm.s32 $_scs_section_size  }
0x9a: {  	s5 =	simm.s32 $_size__tile_overlayer_lowered;
	s6 =	simm.s32 $_tile_overlayer_lowered  }
0x9b: {  	s22 =	simm.s32 $0x1BFF;
	s21 =	sshll.u32 s6, $0x1;
	s3 =	sadd.s32 s4, s19  }
0x9c: {  	s7 =	simm.s32 $0x0;
	s20 =	sshll.u32 s5, $0x1;
	s5 =	sadd.s32 s21, s3  }
0x9d: {  	[timem:s7], [sflag:s22] =	dma.local [hbm:s5], s20  }
0x9e: {  	_ =	swait.ge [sflag:s22], s20  }
0x9f: {  	s4 =	ssub.s32 $0x0, s20;
	[sflag:s22] =	ssyncset.done $0x0  }
0xa0: {  	[sflag:s22] =	ssyncadd.s32 s4;
	_ =	sdelay $0x1  }
0xa1: {  	s23 =	simm.s32 $0x1B8B  }
0xa2: {  	_ =	swait.ge [sflag:s23], $0x1  }
0xa3: {  	[sflag:s23] =	ssyncset.done $0x0  }
0xa4: {  	s25 =	simm.s32 $0x1B8E;
	s24 =	sld [smem:$0x3FFE];
	[sflag:s23] =	ssyncadd.s32 $0xFFFFFFFF  }
0xa5: {  	s26 =	simm.s32 $execute0_lowered;
	[smem:$0x3FD2] =	sst s25  }
0xa6: {  	s5 =	sshll.u32 s26, $0x1;
	_ =	strace $0x80000046;
	[dreg:$0x1] =	wrdreg $0xFFFFFFFF  }
0xa7: {  	s28 =	simm.s32 $_size_execute0_lowered;
	s3 =	sadd.s32 s3, s5;
	[dreg:$0x0] =	wrdreg $0x0  }
0xa8: {  	s5 =	sshll.u32 s28, $0x1;
	[dreg:$0x2] =	wrdreg s3  }
0xa9: {  	[dreg:$0x3] =	wrdreg s5  }
0xaa: {  	[dreg:$0x4] =	wrdreg $0xC0  }
0xab: {  	_ =	task [dreg:s7], $0x5FFFF  }
0xac: {  	[dreg:$0x1] =	wrdreg $0xFFFFFFFF  }
0xad: {  	[dreg:$0x0] =	wrdreg $0x60  }
0xae: {  	[dreg:$0x2] =	wrdreg s2  }
0xaf: {  	[dreg:$0x3] =	wrdreg s24  }
0xb0: {  	[dreg:$0x4] =	wrdreg $0x9  }
0xb1: {  	_ =	task.clear_ibuf [dreg:s7], $0x5FFFF;
	_ =	strace $0x90000046  }
0xb2: {  	s29 =	simm.s32 $0x9;
	_ =	strace $0x80000048  }
0xb3: {  	_ =	swait.ge [sflag:s29], $0x1  }
0xb4: {  	[sflag:s29] =	ssyncadd.s32 $0xFFFFFFFF  }
0xb5: {  	_ =	strace $0x90000048  }
0xb6: {  	_ =	sfence  }
0xb7: {  	s30 =	sld [smem:$0x0];
	_ =	sdelay $0x2  }
0xb8: {  	s31 =	sshll.u32 s1, $0xD;
	s1 =	sshrl.u32 s1, $0x2  }
0xb9: {  	s3 =	sand.u32 $0x4000, s31;
	s1 =	sadd.s32 s1, s30  }
0xba: {  	s0 =	sor.u32 s3, s0;
	s1 =	sshll.u32 s1, $0x11  }
0xbb: {  	s0 =	sor.u32 s1, s0  }
0xbc: {  	s0 =	sadd.s32 $0x8F2B, s0  }
0xbd: {  	[sflag:s0] =	ssyncadd.remote.s32 $0x1  }
0xbe: {  	_ =	sfence.sel $0xFFFF  }
0xbf: {  	[dreg:$0x0] =	wrdreg $0xFFFFFFFF;
	(pc) =	sbr.abs _section_cstart, $3  }
0xc0: {  	[dreg:$0x1] =	wrdreg $0xFFFFFFFF  }
0xc1: {  	_ =	task.clear_ibuf [dreg:s7], $0x2FFFF;
	_ =	strace $0x9FFFFFFF  }
0xc2: {  	(tm) =	ssettm $0x7FFFFFFF  }
0xc3: {  	_ =	shalt  }
tec
execute0_lowered:
.L_overlay_start_1:
0x0: {  	(tag) =	ssettag $0x1  }
0x1: {  	s3 =	rddreg [dreg:$0x0]  }
0x2: {  	s0 =	srdreg.scid;
	s5 =	rddreg [dreg:$0x1]  }
0x3: {  	s1 =	stileid.u32;
	s2 =	simm.s32 $0x0;
	s10 =	simm.s32 $0x80  }
0x4: {  	s11 =	simm.s32 $0x400;
	s12 =	simm.s32 $0x800;
	s13 =	simm.s32 $0x1000  }
0x5: {  	s14 =	simm.s32 $0x2000;
	s15 =	simm.s32 $0x4000;
	s16 =	simm.s32 $0x1  }
0x6: {  	s17 =	simm.s32 $0x2;
	s18 =	simm.s32 $0x3;
	s19 =	simm.s32 $0x4  }
0x7: {  	s20 =	simm.s32 $0x5;
	s21 =	simm.s32 $0x8000;
	s4 =	sand.u32 $0x1, s0  }
0x8: {  	s22 =	simm.s32 $0x6;
	s23 =	simm.s32 $0x0;
	s6 =	sshll.u32 s4, $0x4  }
0x9: {  	s0 =	rddreg [dreg:$0x2];
	s7 =	sshll.u32 s1, $0x7;
	s6 =	sor.u32 s1, s6  }
0xa: {  	[smem:$0x7FF] =	sst s2;
	s7 =	sand.u32 $0x380, s7;
	s6 =	sshrl.u32 s6, $0x3  }
0xb: {  	s4 =	ssub.s32 $0x2, s4;
	s8 =	sshll.u32 s6, $0xA;
	s6 =	sshll.u32 s6, $0x12  }
0xc: {  	_ =	strace $0x80000047;
	s31 =	sshrl.u32 s4, $0x1;
	s6 =	sor.u32 s7, s6  }
0xd: {  	s9 =	ssub.s32 s4, s31;
	s8 =	sor.u32 s7, s8;
	s6 =	sshrl.u32 s6, $0x3  }
0xe: {  	s9 =	smax.u32 s9, $0x1;
	s30 =	sshrl.u32 s8, $0x3;
	s3 =	sadd.s32 s3, s6  }
0xf: {  	v0 =	vlaneseq.u32;
	s8 =	sadd.s32 s30, s5;
	s4 =	sadd.s32 $0x800, s3;
	s5 =	sadd.s32 $0x1000, s3  }
0x10: {  	vm0 =	vcmask $0x300;
	v0 =	vor.u32 $0x80000000, v0;
	s6 =	sadd.s32 $0x2000, s3;
	s7 =	sadd.s32 $0x4000, s3;
	s8 =	sadd.s32 $0x800, s8  }
.LBB2_1:
0x11: {  	[tilespmem:s2], [sflag:$0x1] =	stream.strided.gather [hbm4b:s3+s10], $0x800, s11, s10, $0x38;
	[tilespmem:$0x8080] =	vst v63  }
0x12: {  	_ = 	snop  }
0x13: {  	[tilespmem:s12], [sflag:$0x2] =	stream.strided.gather [hbm4b:s4+s10], $0x800, s11, s10, $0x38;
	[tilespmem:$0x8080] =	vst v63  }
0x14: {  	_ = 	snop  }
0x15: {  	[tilespmem:s13], [sflag:$0x3] =	stream.strided.gather [hbm4b:s5+s10], $0x1000, s11, s10, $0x38;
	[tilespmem:$0x8080] =	vst v63  }
0x16: {  	_ = 	snop  }
0x17: {  	[tilespmem:s14], [sflag:$0x4] =	stream.strided.gather [hbm4b:s6+s10], $0x2000, s11, s10, $0x38;
	[tilespmem:$0x8080] =	vst v63  }
0x18: {  	_ = 	snop  }
0x19: {  	[tilespmem:s15], [sflag:$0x5] =	stream.strided.gather [hbm4b:s7+s10], $0x4000, s11, s10, $0x38;
	[tilespmem:$0x8080] =	vst v63  }
0x1a: {  	_ =	swait.ge [sflag:s16], $0x800  }
0x1b: {  	[sflag:s16] =	ssyncset.done $0x0  }
0x1c: {  	s24 =	simm.s32 $0x40;
	[sflag:s16] =	ssyncadd.s32 $0xFFFFF800  }
0x1d: {  	v3 =	vld [tilespmem:s24+$0xFFFFFFC0]  }
0x1e: {  	v4 =	vld [tilespmem:s24+$0xFFFFFFD0]  }
0x1f: {  	v8 =	vld [tilespmem:s24+$0xFFFFFFE0]  }
0x20: {  	v9 =	vld [tilespmem:s24+$0xFFFFFFF0]  }
0x21: {  	v10 =	vld [tilespmem:s24+$0x0]  }
0x22: {  	v11 =	vld [tilespmem:s24+$0x10]  }
0x23: {  	v12 =	vld [tilespmem:s24+$0x20];
	_ =	sdelay $0x1  }
0x24: {  	v13 =	vimm.f32 $-Inf;
	s26 =	simm.s32 $0xC0;
	v14 =	vld [tilespmem:s24+$0x30]  }
0x25: {  	v1 =	vimm.s32 $0x0;
	v23 =	vld [tilespmem:s26+$0xFFFFFFC0];
	vm1 =	vgt.f32 v3, v13;
	vm2 =	vgt.f32 v4, v13  }
0x26: {  	v2 =	vld [tilespmem:s26+$0xFFFFFFD0];
	vm3 =	vgt.f32 v8, v13;
	vm4 =	vgt.f32 v9, v13;
	vm5 =	vgt.f32 v10, v13  }
0x27: {  	s30 =	simm.s32 $0x0;
	v24 =	vld [tilespmem:s26+$0xFFFFFFE0];
	vm6 =	vgt.f32 v11, v13;
	vm7 =	vgt.f32 v12, v13;
	v5 =	vsel vm1, v3, v13  }
0x28: {  	v17 =	vld [tilespmem:s26+$0x0];
	v7 =	vsel vm1, s30, v1;
	v6 =	vsel vm2, v4, v13;
	v8 =	vsel vm3, v8, v13  }
0x29: {  	s28 =	simm.s32 $0x2;
	v21 =	vld [tilespmem:s26+$0x20];
	v9 =	vsel vm4, v9, v13;
	v10 =	vsel vm5, v10, v13;
	vm1 =	vgt.f32 v14, v13  }
0x2a: {  	s25 =	simm.s32 $0x7;
	s31 =	simm.s32 $0x1;
	s29 =	simm.s32 $0x3;
	v4 =	vld [tilespmem:s26+$0xFFFFFFF0];
	v11 =	vsel vm6, v11, v13;
	v12 =	vsel vm7, v12, v13;
	v15 =	vsel vm3, s28, v1  }
0x2b: {  	v22 =	vld [tilespmem:s26+$0x30];
	v16 =	vsel vm4, s29, v1;
	s29 =	simm.s32 $0x4;
	s30 =	simm.s32 $0x5;
	v13 =	vsel vm1, v14, v13;
	v14 =	vsel vm2, s31, v1;
	s31 =	simm.s32 $0x6  }
0x2c: {  	s24 =	simm.s32 $0xF;
	v3 =	vld [tilespmem:s26+$0x10];
	s26 =	simm.s32 $0x140;
	s28 =	simm.s32 $0x17;
	v18 =	vsel vm5, s29, v1;
	v19 =	vsel vm6, s30, v1;
	v20 =	vsel vm7, s31, v1  }
.LBB2_2:
0x2d: {  	v25 =	vld [tilespmem:s26+$0xFFFFFFC0];
	p0 =	sne.s32 s28, $0x7F;
	s29 =	sadd.s32 $0xFFFFFFF9, s24;
	vm3 =	vgt.f32 v23, v5;
	vm2 =	vgt.f32 v2, v6;
	v1 =	vsel vm1, s25, v1;
	s25 =	smov.u32 s24  }
0x2e: {  	s24 =	smov.u32 s28;
	v5 =	vsel vm3, v23, v5;
	v7 =	vsel vm3, s29, v7;
	v6 =	vsel vm2, v2, v6;
	v2 =	vld [tilespmem:s26+$0xFFFFFFD0]  }
0x2f: {  	vm4 =	vgt.f32 v4, v9;
	vm3 =	vgt.f32 v24, v8;
	vm5 =	vgt.f32 v17, v10;
	v26 =	vld [tilespmem:s26+$0xFFFFFFE0]  }
.Ltmp0:
0x30: {  	v9 =	vsel vm4, v4, v9;
	v8 =	vsel vm3, v24, v8;
	v10 =	vsel vm5, v17, v10;
	v4 =	vld [tilespmem:s26+$0xFFFFFFF0];
	(pc) =	sbr.rel @p0 .LBB2_2-.Ltmp0, $4  }
0x31: {  	vm6 =	vgt.f32 v3, v11;
	vm7 =	vgt.f32 v21, v12;
	v17 =	vld [tilespmem:s26+$0x0];
	vm1 =	vgt.f32 v22, v13  }
0x32: {  	s29 =	sadd.s32 $0xFFFFFFFA, s25;
	s30 =	sadd.s32 $0xFFFFFFFB, s25;
	s31 =	sadd.s32 $0xFFFFFFFC, s25;
	v11 =	vsel vm6, v3, v11;
	v12 =	vsel vm7, v21, v12;
	v3 =	vld [tilespmem:s26+$0x10];
	v13 =	vsel vm1, v22, v13;
	v23 =	vmovc v25  }
0x33: {  	v14 =	vsel vm2, s29, v14;
	v15 =	vsel vm3, s30, v15;
	v16 =	vsel vm4, s31, v16;
	s29 =	sadd.s32 $0xFFFFFFFD, s25;
	s30 =	sadd.s32 $0xFFFFFFFE, s25;
	s31 =	sadd.s32 $0xFFFFFFFF, s25;
	v21 =	vld [tilespmem:s26+$0x20]  }
0x34: {  	s28 =	sadd.s32 $0x8, s28;
	v18 =	vsel vm5, s29, v18;
	v19 =	vsel vm6, s30, v19;
	v20 =	vsel vm7, s31, v20;
	v22 =	vld [tilespmem:s26+$0x30];
	s26 =	sadd.s32 $0x80, s26;
	v24 =	vmovc v26  }
0x35: {  	_ =	swait.ge [sflag:s17], $0x800  }
0x36: {  	[sflag:s17] =	ssyncset.done $0x0  }
0x37: {  	s26 =	simm.s32 $0x870;
	[sflag:s17] =	ssyncadd.s32 $0xFFFFF800  }
0x38: {  	s28 =	sadd.s32 $0xFFFFFFF9, s24;
	vm2 =	vgt.f32 v23, v5;
	vm3 =	vgt.f32 v2, v6;
	v1 =	vsel vm1, s25, v1;
	v25 =	vld [tilespmem:s26+$0xFFFFFF90]  }
0x39: {  	vm1 =	vgt.f32 v24, v8;
	v5 =	vsel vm2, v23, v5;
	v7 =	vsel vm2, s28, v7;
	v26 =	vld [tilespmem:s26+$0xFFFFFFA0]  }
0x3a: {  	s31 =	sadd.s32 $0xFFFFFFFA, s24;
	v6 =	vsel vm3, v2, v6;
	vm2 =	vgt.f32 v4, v9;
	vm4 =	vgt.f32 v17, v10;
	v27 =	vld [tilespmem:s26+$0xFFFFFFB0]  }
0x3b: {  	v8 =	vsel vm1, v24, v8;
	s28 =	sadd.s32 $0xFFFFFFFB, s24;
	v14 =	vsel vm3, s31, v14;
	v10 =	vsel vm4, v17, v10;
	v17 =	vld [tilespmem:s26+$0xFFFFFFC0]  }
0x3c: {  	s29 =	sadd.s32 $0xFFFFFFFC, s24;
	s30 =	sadd.s32 $0xFFFFFFFD, s24;
	v9 =	vsel vm2, v4, v9;
	vm5 =	vgt.f32 v3, v11;
	v15 =	vsel vm1, s28, v15;
	v28 =	vld [tilespmem:s26+$0xFFFFFFD0]  }
0x3d: {  	v16 =	vsel vm2, s29, v16;
	v18 =	vsel vm4, s30, v18;
	vm6 =	vgt.f32 v21, v12;
	v29 =	vld [tilespmem:s26+$0x0]  }
0x3e: {  	s31 =	sadd.s32 $0xFFFFFFFF, s24;
	s28 =	sadd.s32 $0xFFFFFFFE, s24;
	v11 =	vsel vm5, v3, v11;
	vm7 =	vgt.f32 v22, v13;
	v12 =	vsel vm6, v21, v12;
	v21 =	vld [tilespmem:s26+$0xFFFFFFE0]  }
0x3f: {  	v19 =	vsel vm5, s28, v19;
	v20 =	vsel vm6, s31, v20;
	v13 =	vsel vm7, v22, v13;
	v22 =	vld [tilespmem:s26+$0xFFFFFFF0];
	s26 =	simm.s32 $0x8F0  }
0x40: {  	v1 =	vsel vm7, s24, v1;
	v23 =	vld [tilespmem:s26+$0xFFFFFF90];
	vm1 =	vgt.f32 v25, v5;
	vm2 =	vgt.f32 v26, v6  }
0x41: {  	s29 =	simm.s32 $0x80;
	v2 =	vld [tilespmem:s26+$0xFFFFFFA0];
	vm3 =	vgt.f32 v27, v8;
	vm12 =	vgt.f32 v17, v9;
	vm13 =	vgt.f32 v28, v10  }
0x42: {  	v24 =	vld [tilespmem:s26+$0xFFFFFFB0];
	v5 =	vsel vm1, v25, v5;
	v7 =	vsel vm1, s29, v7;
	v6 =	vsel vm2, v26, v6  }
0x43: {  	s30 =	simm.s32 $0x81;
	v4 =	vld [tilespmem:s26+$0xFFFFFFC0];
	v8 =	vsel vm3, v27, v8;
	v9 =	vsel vm12, v17, v9;
	v10 =	vsel vm13, v28, v10  }
0x44: {  	s28 =	simm.s32 $0x82;
	s31 =	simm.s32 $0x83;
	v3 =	vld [tilespmem:s26+$0xFFFFFFE0];
	vm14 =	vgt.f32 v21, v11;
	vm1 =	vgt.f32 v29, v13;
	v14 =	vsel vm2, s30, v14  }
0x45: {  	v17 =	vld [tilespmem:s26+$0xFFFFFFD0];
	v15 =	vsel vm3, s28, v15;
	v16 =	vsel vm12, s31, v16;
	s29 =	simm.s32 $0x84;
	vm15 =	vgt.f32 v22, v12  }
0x46: {  	s25 =	simm.s32 $0x87;
	s30 =	simm.s32 $0x85;
	s31 =	simm.s32 $0x86;
	v11 =	vsel vm14, v21, v11;
	v13 =	vsel vm1, v29, v13;
	v21 =	vld [tilespmem:s26+$0xFFFFFFF0];
	v18 =	vsel vm13, s29, v18  }
0x47: {  	s24 =	simm.s32 $0x8F;
	s28 =	simm.s32 $0x97;
	v19 =	vsel vm14, s30, v19;
	v12 =	vsel vm15, v22, v12;
	v22 =	vld [tilespmem:s26+$0x0];
	s26 =	simm.s32 $0x970;
	v20 =	vsel vm15, s31, v20  }
.LBB2_4:
0x48: {  	v25 =	vld [tilespmem:s26+$0xFFFFFF90];
	p0 =	sne.s32 s28, $0xFF;
	s29 =	sadd.s32 $0xFFFFFFF9, s24;
	vm3 =	vgt.f32 v23, v5;
	vm2 =	vgt.f32 v2, v6;
	v1 =	vsel vm1, s25, v1;
	s25 =	smov.u32 s24  }
0x49: {  	s24 =	smov.u32 s28;
	v5 =	vsel vm3, v23, v5;
	v7 =	vsel vm3, s29, v7;
	v6 =	vsel vm2, v2, v6;
	v2 =	vld [tilespmem:s26+$0xFFFFFFA0]  }
0x4a: {  	vm4 =	vgt.f32 v4, v9;
	vm3 =	vgt.f32 v24, v8;
	vm5 =	vgt.f32 v17, v10;
	v26 =	vld [tilespmem:s26+$0xFFFFFFB0]  }
.Ltmp1:
0x4b: {  	v9 =	vsel vm4, v4, v9;
	v8 =	vsel vm3, v24, v8;
	v10 =	vsel vm5, v17, v10;
	v4 =	vld [tilespmem:s26+$0xFFFFFFC0];
	(pc) =	sbr.rel @p0 .LBB2_4-.Ltmp1, $4  }
0x4c: {  	vm6 =	vgt.f32 v3, v11;
	vm7 =	vgt.f32 v21, v12;
	v17 =	vld [tilespmem:s26+$0xFFFFFFD0];
	vm1 =	vgt.f32 v22, v13  }
0x4d: {  	s29 =	sadd.s32 $0xFFFFFFFA, s25;
	s30 =	sadd.s32 $0xFFFFFFFB, s25;
	s31 =	sadd.s32 $0xFFFFFFFC, s25;
	v11 =	vsel vm6, v3, v11;
	v12 =	vsel vm7, v21, v12;
	v3 =	vld [tilespmem:s26+$0xFFFFFFE0];
	v13 =	vsel vm1, v22, v13;
	v23 =	vmovc v25  }
0x4e: {  	v14 =	vsel vm2, s29, v14;
	v15 =	vsel vm3, s30, v15;
	v16 =	vsel vm4, s31, v16;
	s29 =	sadd.s32 $0xFFFFFFFD, s25;
	s30 =	sadd.s32 $0xFFFFFFFE, s25;
	s31 =	sadd.s32 $0xFFFFFFFF, s25;
	v21 =	vld [tilespmem:s26+$0xFFFFFFF0]  }
0x4f: {  	s28 =	sadd.s32 $0x8, s28;
	v18 =	vsel vm5, s29, v18;
	v19 =	vsel vm6, s30, v19;
	v20 =	vsel vm7, s31, v20;
	v22 =	vld [tilespmem:s26+$0x0];
	s26 =	sadd.s32 $0x80, s26;
	v24 =	vmovc v26  }
0x50: {  	_ =	swait.ge [sflag:s18], $0x1000  }
0x51: {  	[sflag:s18] =	ssyncset.done $0x0  }
0x52: {  	s26 =	simm.s32 $0x1070;
	[sflag:s18] =	ssyncadd.s32 $0xFFFFF000  }
0x53: {  	s28 =	sadd.s32 $0xFFFFFFF9, s24;
	vm2 =	vgt.f32 v23, v5;
	vm3 =	vgt.f32 v2, v6;
	v1 =	vsel vm1, s25, v1;
	v25 =	vld [tilespmem:s26+$0xFFFFFF90]  }
0x54: {  	vm1 =	vgt.f32 v24, v8;
	v5 =	vsel vm2, v23, v5;
	v7 =	vsel vm2, s28, v7;
	v26 =	vld [tilespmem:s26+$0xFFFFFFA0]  }
0x55: {  	s31 =	sadd.s32 $0xFFFFFFFA, s24;
	v6 =	vsel vm3, v2, v6;
	vm2 =	vgt.f32 v4, v9;
	vm4 =	vgt.f32 v17, v10;
	v27 =	vld [tilespmem:s26+$0xFFFFFFB0]  }
0x56: {  	v8 =	vsel vm1, v24, v8;
	s28 =	sadd.s32 $0xFFFFFFFB, s24;
	v14 =	vsel vm3, s31, v14;
	v10 =	vsel vm4, v17, v10;
	v17 =	vld [tilespmem:s26+$0xFFFFFFC0]  }
0x57: {  	s29 =	sadd.s32 $0xFFFFFFFC, s24;
	s30 =	sadd.s32 $0xFFFFFFFD, s24;
	v9 =	vsel vm2, v4, v9;
	vm5 =	vgt.f32 v3, v11;
	v15 =	vsel vm1, s28, v15;
	v28 =	vld [tilespmem:s26+$0xFFFFFFD0]  }
0x58: {  	v16 =	vsel vm2, s29, v16;
	v18 =	vsel vm4, s30, v18;
	vm6 =	vgt.f32 v21, v12;
	v29 =	vld [tilespmem:s26+$0x0]  }
0x59: {  	s31 =	sadd.s32 $0xFFFFFFFF, s24;
	s28 =	sadd.s32 $0xFFFFFFFE, s24;
	v11 =	vsel vm5, v3, v11;
	vm7 =	vgt.f32 v22, v13;
	v12 =	vsel vm6, v21, v12;
	v21 =	vld [tilespmem:s26+$0xFFFFFFE0]  }
0x5a: {  	v19 =	vsel vm5, s28, v19;
	v20 =	vsel vm6, s31, v20;
	v13 =	vsel vm7, v22, v13;
	v22 =	vld [tilespmem:s26+$0xFFFFFFF0];
	s26 =	simm.s32 $0x10F0  }
0x5b: {  	v1 =	vsel vm7, s24, v1;
	v23 =	vld [tilespmem:s26+$0xFFFFFF90];
	vm1 =	vgt.f32 v25, v5;
	vm2 =	vgt.f32 v26, v6  }
0x5c: {  	s29 =	simm.s32 $0x100;
	v2 =	vld [tilespmem:s26+$0xFFFFFFA0];
	vm3 =	vgt.f32 v27, v8;
	vm12 =	vgt.f32 v17, v9;
	vm13 =	vgt.f32 v28, v10  }
0x5d: {  	v24 =	vld [tilespmem:s26+$0xFFFFFFB0];
	v5 =	vsel vm1, v25, v5;
	v7 =	vsel vm1, s29, v7;
	v6 =	vsel vm2, v26, v6  }
0x5e: {  	s30 =	simm.s32 $0x101;
	v4 =	vld [tilespmem:s26+$0xFFFFFFC0];
	v8 =	vsel vm3, v27, v8;
	v9 =	vsel vm12, v17, v9;
	v10 =	vsel vm13, v28, v10  }
0x5f: {  	s28 =	simm.s32 $0x102;
	s31 =	simm.s32 $0x103;
	v3 =	vld [tilespmem:s26+$0xFFFFFFE0];
	vm14 =	vgt.f32 v21, v11;
	vm1 =	vgt.f32 v29, v13;
	v14 =	vsel vm2, s30, v14  }
0x60: {  	v17 =	vld [tilespmem:s26+$0xFFFFFFD0];
	v15 =	vsel vm3, s28, v15;
	v16 =	vsel vm12, s31, v16;
	s29 =	simm.s32 $0x104;
	vm15 =	vgt.f32 v22, v12  }
0x61: {  	s25 =	simm.s32 $0x107;
	s30 =	simm.s32 $0x105;
	s31 =	simm.s32 $0x106;
	v11 =	vsel vm14, v21, v11;
	v13 =	vsel vm1, v29, v13;
	v21 =	vld [tilespmem:s26+$0xFFFFFFF0];
	v18 =	vsel vm13, s29, v18  }
0x62: {  	s24 =	simm.s32 $0x10F;
	s28 =	simm.s32 $0x117;
	v19 =	vsel vm14, s30, v19;
	v12 =	vsel vm15, v22, v12;
	v22 =	vld [tilespmem:s26+$0x0];
	s26 =	simm.s32 $0x1170;
	v20 =	vsel vm15, s31, v20  }
.LBB2_6:
0x63: {  	v25 =	vld [tilespmem:s26+$0xFFFFFF90];
	p0 =	sne.s32 s28, $0x1FF;
	s29 =	sadd.s32 $0xFFFFFFF9, s24;
	vm3 =	vgt.f32 v23, v5;
	vm2 =	vgt.f32 v2, v6;
	v1 =	vsel vm1, s25, v1;
	s25 =	smov.u32 s24  }
0x64: {  	s24 =	smov.u32 s28;
	v5 =	vsel vm3, v23, v5;
	v7 =	vsel vm3, s29, v7;
	v6 =	vsel vm2, v2, v6;
	v2 =	vld [tilespmem:s26+$0xFFFFFFA0]  }
0x65: {  	vm4 =	vgt.f32 v4, v9;
	vm3 =	vgt.f32 v24, v8;
	vm5 =	vgt.f32 v17, v10;
	v26 =	vld [tilespmem:s26+$0xFFFFFFB0]  }
.Ltmp2:
0x66: {  	v9 =	vsel vm4, v4, v9;
	v8 =	vsel vm3, v24, v8;
	v10 =	vsel vm5, v17, v10;
	v4 =	vld [tilespmem:s26+$0xFFFFFFC0];
	(pc) =	sbr.rel @p0 .LBB2_6-.Ltmp2, $4  }
0x67: {  	vm6 =	vgt.f32 v3, v11;
	vm7 =	vgt.f32 v21, v12;
	v17 =	vld [tilespmem:s26+$0xFFFFFFD0];
	vm1 =	vgt.f32 v22, v13  }
0x68: {  	s29 =	sadd.s32 $0xFFFFFFFA, s25;
	s30 =	sadd.s32 $0xFFFFFFFB, s25;
	s31 =	sadd.s32 $0xFFFFFFFC, s25;
	v11 =	vsel vm6, v3, v11;
	v12 =	vsel vm7, v21, v12;
	v3 =	vld [tilespmem:s26+$0xFFFFFFE0];
	v13 =	vsel vm1, v22, v13;
	v23 =	vmovc v25  }
0x69: {  	v14 =	vsel vm2, s29, v14;
	v15 =	vsel vm3, s30, v15;
	v16 =	vsel vm4, s31, v16;
	s29 =	sadd.s32 $0xFFFFFFFD, s25;
	s30 =	sadd.s32 $0xFFFFFFFE, s25;
	s31 =	sadd.s32 $0xFFFFFFFF, s25;
	v21 =	vld [tilespmem:s26+$0xFFFFFFF0]  }
0x6a: {  	s28 =	sadd.s32 $0x8, s28;
	v18 =	vsel vm5, s29, v18;
	v19 =	vsel vm6, s30, v19;
	v20 =	vsel vm7, s31, v20;
	v22 =	vld [tilespmem:s26+$0x0];
	s26 =	sadd.s32 $0x80, s26;
	v24 =	vmovc v26  }
0x6b: {  	_ =	swait.ge [sflag:s19], $0x2000  }
0x6c: {  	[sflag:s19] =	ssyncset.done $0x0  }
0x6d: {  	s26 =	simm.s32 $0x2070;
	[sflag:s19] =	ssyncadd.s32 $0xFFFFE000  }
0x6e: {  	s28 =	sadd.s32 $0xFFFFFFF9, s24;
	vm2 =	vgt.f32 v23, v5;
	vm3 =	vgt.f32 v2, v6;
	v1 =	vsel vm1, s25, v1;
	v25 =	vld [tilespmem:s26+$0xFFFFFF90]  }
0x6f: {  	vm1 =	vgt.f32 v24, v8;
	v5 =	vsel vm2, v23, v5;
	v7 =	vsel vm2, s28, v7;
	v26 =	vld [tilespmem:s26+$0xFFFFFFA0]  }
0x70: {  	s31 =	sadd.s32 $0xFFFFFFFA, s24;
	v6 =	vsel vm3, v2, v6;
	vm2 =	vgt.f32 v4, v9;
	vm4 =	vgt.f32 v17, v10;
	v27 =	vld [tilespmem:s26+$0xFFFFFFB0]  }
0x71: {  	v8 =	vsel vm1, v24, v8;
	s28 =	sadd.s32 $0xFFFFFFFB, s24;
	v14 =	vsel vm3, s31, v14;
	v10 =	vsel vm4, v17, v10;
	v17 =	vld [tilespmem:s26+$0xFFFFFFC0]  }
0x72: {  	s29 =	sadd.s32 $0xFFFFFFFC, s24;
	s30 =	sadd.s32 $0xFFFFFFFD, s24;
	v9 =	vsel vm2, v4, v9;
	vm5 =	vgt.f32 v3, v11;
	v15 =	vsel vm1, s28, v15;
	v28 =	vld [tilespmem:s26+$0xFFFFFFD0]  }
0x73: {  	v16 =	vsel vm2, s29, v16;
	v18 =	vsel vm4, s30, v18;
	vm6 =	vgt.f32 v21, v12;
	v29 =	vld [tilespmem:s26+$0x0]  }
0x74: {  	s31 =	sadd.s32 $0xFFFFFFFF, s24;
	s28 =	sadd.s32 $0xFFFFFFFE, s24;
	v11 =	vsel vm5, v3, v11;
	vm7 =	vgt.f32 v22, v13;
	v12 =	vsel vm6, v21, v12;
	v21 =	vld [tilespmem:s26+$0xFFFFFFE0]  }
0x75: {  	v19 =	vsel vm5, s28, v19;
	v20 =	vsel vm6, s31, v20;
	v13 =	vsel vm7, v22, v13;
	v22 =	vld [tilespmem:s26+$0xFFFFFFF0];
	s26 =	simm.s32 $0x20F0  }
0x76: {  	v1 =	vsel vm7, s24, v1;
	v23 =	vld [tilespmem:s26+$0xFFFFFF90];
	vm1 =	vgt.f32 v25, v5;
	vm2 =	vgt.f32 v26, v6  }
0x77: {  	s29 =	simm.s32 $0x200;
	v2 =	vld [tilespmem:s26+$0xFFFFFFA0];
	vm3 =	vgt.f32 v27, v8;
	vm12 =	vgt.f32 v17, v9;
	vm13 =	vgt.f32 v28, v10  }
0x78: {  	v24 =	vld [tilespmem:s26+$0xFFFFFFB0];
	v5 =	vsel vm1, v25, v5;
	v7 =	vsel vm1, s29, v7;
	v6 =	vsel vm2, v26, v6  }
0x79: {  	s30 =	simm.s32 $0x201;
	v4 =	vld [tilespmem:s26+$0xFFFFFFC0];
	v8 =	vsel vm3, v27, v8;
	v9 =	vsel vm12, v17, v9;
	v10 =	vsel vm13, v28, v10  }
0x7a: {  	s28 =	simm.s32 $0x202;
	s31 =	simm.s32 $0x203;
	v3 =	vld [tilespmem:s26+$0xFFFFFFE0];
	vm14 =	vgt.f32 v21, v11;
	vm1 =	vgt.f32 v29, v13;
	v14 =	vsel vm2, s30, v14  }
0x7b: {  	v17 =	vld [tilespmem:s26+$0xFFFFFFD0];
	v15 =	vsel vm3, s28, v15;
	v16 =	vsel vm12, s31, v16;
	s29 =	simm.s32 $0x204;
	vm15 =	vgt.f32 v22, v12  }
0x7c: {  	s25 =	simm.s32 $0x207;
	s30 =	simm.s32 $0x205;
	s31 =	simm.s32 $0x206;
	v11 =	vsel vm14, v21, v11;
	v13 =	vsel vm1, v29, v13;
	v21 =	vld [tilespmem:s26+$0xFFFFFFF0];
	v18 =	vsel vm13, s29, v18  }
0x7d: {  	s24 =	simm.s32 $0x20F;
	s28 =	simm.s32 $0x217;
	v19 =	vsel vm14, s30, v19;
	v12 =	vsel vm15, v22, v12;
	v22 =	vld [tilespmem:s26+$0x0];
	s26 =	simm.s32 $0x2170;
	v20 =	vsel vm15, s31, v20  }
.LBB2_8:
0x7e: {  	v25 =	vld [tilespmem:s26+$0xFFFFFF90];
	p0 =	sne.s32 s28, $0x3FF;
	s29 =	sadd.s32 $0xFFFFFFF9, s24;
	vm3 =	vgt.f32 v23, v5;
	vm2 =	vgt.f32 v2, v6;
	v1 =	vsel vm1, s25, v1;
	s25 =	smov.u32 s24  }
0x7f: {  	s24 =	smov.u32 s28;
	v5 =	vsel vm3, v23, v5;
	v7 =	vsel vm3, s29, v7;
	v6 =	vsel vm2, v2, v6;
	v2 =	vld [tilespmem:s26+$0xFFFFFFA0]  }
0x80: {  	vm4 =	vgt.f32 v4, v9;
	vm3 =	vgt.f32 v24, v8;
	vm5 =	vgt.f32 v17, v10;
	v26 =	vld [tilespmem:s26+$0xFFFFFFB0]  }
.Ltmp3:
0x81: {  	v9 =	vsel vm4, v4, v9;
	v8 =	vsel vm3, v24, v8;
	v10 =	vsel vm5, v17, v10;
	v4 =	vld [tilespmem:s26+$0xFFFFFFC0];
	(pc) =	sbr.rel @p0 .LBB2_8-.Ltmp3, $4  }
0x82: {  	vm6 =	vgt.f32 v3, v11;
	vm7 =	vgt.f32 v21, v12;
	v17 =	vld [tilespmem:s26+$0xFFFFFFD0];
	vm1 =	vgt.f32 v22, v13  }
0x83: {  	s29 =	sadd.s32 $0xFFFFFFFA, s25;
	s30 =	sadd.s32 $0xFFFFFFFB, s25;
	s31 =	sadd.s32 $0xFFFFFFFC, s25;
	v11 =	vsel vm6, v3, v11;
	v12 =	vsel vm7, v21, v12;
	v3 =	vld [tilespmem:s26+$0xFFFFFFE0];
	v13 =	vsel vm1, v22, v13;
	v23 =	vmovc v25  }
0x84: {  	v14 =	vsel vm2, s29, v14;
	v15 =	vsel vm3, s30, v15;
	v16 =	vsel vm4, s31, v16;
	s29 =	sadd.s32 $0xFFFFFFFD, s25;
	s30 =	sadd.s32 $0xFFFFFFFE, s25;
	s31 =	sadd.s32 $0xFFFFFFFF, s25;
	v21 =	vld [tilespmem:s26+$0xFFFFFFF0]  }
0x85: {  	s28 =	sadd.s32 $0x8, s28;
	v18 =	vsel vm5, s29, v18;
	v19 =	vsel vm6, s30, v19;
	v20 =	vsel vm7, s31, v20;
	v22 =	vld [tilespmem:s26+$0x0];
	s26 =	sadd.s32 $0x80, s26;
	v24 =	vmovc v26  }
0x86: {  	_ =	swait.ge [sflag:s20], $0x4000  }
0x87: {  	[sflag:s20] =	ssyncset.done $0x0  }
0x88: {  	s26 =	simm.s32 $0x4070;
	[sflag:s20] =	ssyncadd.s32 $0xFFFFC000  }
0x89: {  	vm2 =	vgt.f32 v23, v5;
	vm3 =	vgt.f32 v2, v6;
	v1 =	vsel vm1, s25, v1;
	v25 =	vld [tilespmem:s26+$0xFFFFFF90]  }
0x8a: {  	s28 =	sadd.s32 $0xFFFFFFF9, s24;
	vm1 =	vgt.f32 v24, v8;
	v5 =	vsel vm2, v23, v5;
	v2 =	vsel vm3, v2, v6;
	v6 =	vld [tilespmem:s26+$0xFFFFFFA0]  }
0x8b: {  	v7 =	vsel vm2, s28, v7;
	vm2 =	vgt.f32 v4, v9;
	vm4 =	vgt.f32 v17, v10;
	v26 =	vld [tilespmem:s26+$0xFFFFFFB0]  }
0x8c: {  	s31 =	sadd.s32 $0xFFFFFFFA, s24;
	v8 =	vsel vm1, v24, v8;
	s28 =	sadd.s32 $0xFFFFFFFB, s24;
	v4 =	vsel vm2, v4, v9;
	v9 =	vsel vm4, v17, v10;
	v10 =	vld [tilespmem:s26+$0xFFFFFFC0]  }
0x8d: {  	s29 =	sadd.s32 $0xFFFFFFFC, s24;
	s30 =	sadd.s32 $0xFFFFFFFD, s24;
	v28 =	vsel vm3, s31, v14;
	vm5 =	vgt.f32 v3, v11;
	v29 =	vsel vm1, s28, v15;
	v27 =	vld [tilespmem:s26+$0xFFFFFFD0]  }
0x8e: {  	s31 =	sadd.s32 $0xFFFFFFFF, s24;
	v30 =	vsel vm2, s29, v16;
	v18 =	vsel vm4, s30, v18;
	vm6 =	vgt.f32 v21, v12;
	v31 =	vld [tilespmem:s26+$0xFFFFFFF0]  }
0x8f: {  	s28 =	sadd.s32 $0xFFFFFFFE, s24;
	v3 =	vsel vm5, v3, v11;
	vm7 =	vgt.f32 v22, v13;
	v33 =	vsel vm6, s31, v20;
	v20 =	vld [tilespmem:s26+$0x0]  }
0x90: {  	v32 =	vsel vm5, s28, v19;
	v21 =	vsel vm6, v21, v12;
	v13 =	vsel vm7, v22, v13;
	v22 =	vld [tilespmem:s26+$0xFFFFFFE0];
	s26 =	simm.s32 $0x40F0  }
0x91: {  	v1 =	vsel vm7, s24, v1;
	v23 =	vld [tilespmem:s26+$0xFFFFFF90];
	vm1 =	vgt.f32 v25, v5;
	vm2 =	vgt.f32 v6, v2  }
0x92: {  	s29 =	simm.s32 $0x400;
	v14 =	vld [tilespmem:s26+$0xFFFFFFA0];
	vm3 =	vgt.f32 v26, v8;
	vm12 =	vgt.f32 v10, v4;
	vm13 =	vgt.f32 v27, v9  }
0x93: {  	v24 =	vld [tilespmem:s26+$0xFFFFFFB0];
	vm15 =	vgt.f32 v31, v21;
	v19 =	vsel vm1, v25, v5;
	v17 =	vsel vm1, s29, v7  }
0x94: {  	v11 =	vld [tilespmem:s26+$0xFFFFFFC0];
	v16 =	vsel vm2, v6, v2;
	v15 =	vsel vm3, v26, v8;
	v12 =	vsel vm12, v10, v4  }
0x95: {  	s31 =	simm.s32 $0x403;
	v8 =	vsel vm13, v27, v9;
	v10 =	vld [tilespmem:s26+$0xFFFFFFD0];
	vm1 =	vgt.f32 v20, v13;
	s29 =	simm.s32 $0x404;
	vm14 =	vgt.f32 v22, v3  }
0x96: {  	s25 =	simm.s32 $0x40F;
	s30 =	simm.s32 $0x401;
	v5 =	vld [tilespmem:s26+$0xFFFFFFE0];
	v2 =	vsel vm1, v20, v13;
	v20 =	vsel vm12, s31, v30;
	v18 =	vsel vm13, s29, v18  }
0x97: {  	s28 =	simm.s32 $0x402;
	v4 =	vld [tilespmem:s26+$0xFFFFFFF0];
	s31 =	simm.s32 $0x406;
	v7 =	vsel vm14, v22, v3;
	v3 =	vsel vm15, v31, v21;
	v22 =	vsel vm2, s30, v28;
	s30 =	simm.s32 $0x405  }
0x98: {  	s24 =	simm.s32 $0x407;
	v6 =	vld [tilespmem:s26+$0x0];
	s26 =	simm.s32 $0x4170;
	v21 =	vsel vm3, s28, v29;
	s28 =	simm.s32 $0x417;
	v9 =	vsel vm15, s31, v33;
	v13 =	vsel vm14, s30, v32  }
.LBB2_10:
0x99: {  	v25 =	vld [tilespmem:s26+$0xFFFFFF90];
	p0 =	sne.s32 s28, $0x7FF;
	s29 =	sadd.s32 $0xFFFFFFF9, s25;
	vm3 =	vgt.f32 v23, v19;
	vm2 =	vgt.f32 v14, v16;
	v1 =	vsel vm1, s24, v1;
	s24 =	smov.u32 s25  }
0x9a: {  	s25 =	smov.u32 s28;
	v19 =	vsel vm3, v23, v19;
	v17 =	vsel vm3, s29, v17;
	v16 =	vsel vm2, v14, v16;
	v14 =	vld [tilespmem:s26+$0xFFFFFFA0]  }
0x9b: {  	vm4 =	vgt.f32 v11, v12;
	vm3 =	vgt.f32 v24, v15;
	vm5 =	vgt.f32 v10, v8;
	v26 =	vld [tilespmem:s26+$0xFFFFFFB0]  }
.Ltmp4:
0x9c: {  	v12 =	vsel vm4, v11, v12;
	v15 =	vsel vm3, v24, v15;
	v8 =	vsel vm5, v10, v8;
	v11 =	vld [tilespmem:s26+$0xFFFFFFC0];
	(pc) =	sbr.rel @p0 .LBB2_10-.Ltmp4, $4  }
0x9d: {  	vm6 =	vgt.f32 v5, v7;
	vm7 =	vgt.f32 v4, v3;
	v10 =	vld [tilespmem:s26+$0xFFFFFFD0];
	vm1 =	vgt.f32 v6, v2  }
0x9e: {  	s29 =	sadd.s32 $0xFFFFFFFA, s24;
	s30 =	sadd.s32 $0xFFFFFFFB, s24;
	s31 =	sadd.s32 $0xFFFFFFFC, s24;
	v7 =	vsel vm6, v5, v7;
	v3 =	vsel vm7, v4, v3;
	v5 =	vld [tilespmem:s26+$0xFFFFFFE0];
	v2 =	vsel vm1, v6, v2;
	v23 =	vmovc v25  }
0x9f: {  	v22 =	vsel vm2, s29, v22;
	v21 =	vsel vm3, s30, v21;
	v20 =	vsel vm4, s31, v20;
	s29 =	sadd.s32 $0xFFFFFFFD, s24;
	s30 =	sadd.s32 $0xFFFFFFFE, s24;
	s31 =	sadd.s32 $0xFFFFFFFF, s24;
	v4 =	vld [tilespmem:s26+$0xFFFFFFF0]  }
0xa0: {  	s28 =	sadd.s32 $0x8, s28;
	v18 =	vsel vm5, s29, v18;
	v13 =	vsel vm6, s30, v13;
	v9 =	vsel vm7, s31, v9;
	v6 =	vld [tilespmem:s26+$0x0];
	s26 =	sadd.s32 $0x80, s26;
	v24 =	vmovc v26  }
0xa1: {  	vm2 =	vgt.f32 v23, v19  }
0xa2: {  	s26 =	sadd.s32 $0xFFFFFFF9, s25;
	vm3 =	vgt.f32 v14, v16;
	s28 =	sadd.s32 $0xFFFFFFFA, s25;
	v19 =	vsel vm2, v23, v19  }
0xa3: {  	v17 =	vsel vm2, s26, v17;
	v14 =	vsel vm3, v14, v16;
	v58 =	vsel vm3, s28, v22  }
0xa4: {  	vm2 =	veq.f32 v14, v19;
	vm3 =	vlt.s32 v58, v17  }
0xa5: {  	vm4 =	vgt.f32 v24, v15;
	vm5 =	vgt.f32 v14, v19;
	vm2 =	vmand vm2, vm3  }
0xa6: {  	s30 =	sadd.s32 $0xFFFFFFFB, s25;
	v15 =	vsel vm4, v24, v15;
	vm2 =	vmor vm5, vm2  }
0xa7: {  	v21 =	vsel vm4, s30, v21;
	v14 =	vsel vm2, v14, v19;
	v16 =	vsel vm2, v58, v17  }
0xa8: {  	vm2 =	veq.f32 v15, v14;
	vm3 =	vlt.s32 v21, v16  }
0xa9: {  	vm14 =	vgt.f32 v11, v12;
	vm15 =	vgt.f32 v15, v14;
	vm2 =	vmand vm2, vm3  }
0xaa: {  	s31 =	sadd.s32 $0xFFFFFFFC, s25;
	v11 =	vsel vm14, v11, v12;
	vm2 =	vmor vm15, vm2  }
0xab: {  	v59 =	vsel vm14, s31, v20;
	v14 =	vsel vm2, v15, v14;
	v60 =	vsel vm2, v21, v16  }
0xac: {  	vm2 =	veq.f32 v11, v14;
	vm3 =	vlt.s32 v59, v60  }
0xad: {  	vm8 =	vgt.f32 v10, v8;
	vm9 =	vgt.f32 v11, v14;
	vm2 =	vmand vm2, vm3  }
0xae: {  	s28 =	sadd.s32 $0xFFFFFFFD, s25;
	v8 =	vsel vm8, v10, v8;
	vm2 =	vmor vm9, vm2  }
0xaf: {  	v61 =	vsel vm8, s28, v18;
	v11 =	vsel vm2, v11, v14;
	v12 =	vsel vm2, v59, v60  }
0xb0: {  	vm2 =	veq.f32 v8, v11;
	vm3 =	vlt.s32 v61, v12  }
0xb1: {  	vm10 =	vgt.f32 v5, v7;
	vm11 =	vgt.f32 v8, v11;
	vm2 =	vmand vm2, vm3  }
0xb2: {  	s29 =	sadd.s32 $0xFFFFFFFE, s25;
	v5 =	vsel vm10, v5, v7;
	vm2 =	vmor vm11, vm2  }
0xb3: {  	v62 =	vsel vm10, s29, v13;
	v8 =	vsel vm2, v8, v11;
	v10 =	vsel vm2, v61, v12  }
0xb4: {  	vm2 =	veq.f32 v5, v8;
	vm3 =	vlt.s32 v62, v10  }
0xb5: {  	vm12 =	vgt.f32 v4, v3;
	vm13 =	vgt.f32 v5, v8;
	vm2 =	vmand vm2, vm3  }
0xb6: {  	s30 =	sadd.s32 $0xFFFFFFFF, s25;
	v3 =	vsel vm12, v4, v3;
	vm2 =	vmor vm13, vm2  }
0xb7: {  	v63 =	vsel vm12, s30, v9;
	v5 =	vsel vm2, v5, v8;
	v7 =	vsel vm2, v62, v10  }
0xb8: {  	vm2 =	veq.f32 v3, v5;
	vm3 =	vlt.s32 v63, v7  }
0xb9: {  	vm14 =	vgt.f32 v6, v2;
	vm15 =	vgt.f32 v3, v5;
	vm2 =	vmand vm2, vm3  }
0xba: {  	v1 =	vsel vm1, s24, v1;
	v2 =	vsel vm14, v6, v2;
	vm1 =	vmor vm15, vm2  }
0xbb: {  	v1 =	vsel vm14, s25, v1;
	v3 =	vsel vm1, v3, v5;
	v4 =	vsel vm1, v63, v7  }
0xbc: {  	vm1 =	veq.f32 v2, v3;
	vm2 =	vlt.s32 v1, v4  }
0xbd: {  	vm3 =	vgt.f32 v2, v3;
	vm1 =	vmand vm1, vm2  }
0xbe: {  	vm1 =	vmor vm3, vm1  }
0xbf: {  	v2 =	vsel vm1, v2, v3  }
0xc0: {  	(xrf0) =	vmax.scan.msk.f32 $0xffff, v2;
	_ =	sdelay $0x5  }
0xc1: {  	v3, _, _ =	vpop (xrf0)  }
0xc2: {  	v1 =	vsel vm1, v1, v4;
	v3 =	vbroadcast v3, $0xF  }
0xc3: {  	v1 =	vshll.u32 v1, $0x4  }
0xc4: {  	v1 =	vxor.u32 v0, v1;
	vm1 =	veq.f32 v2, v3  }
0xc5: {  	v1 =	vnsel vm1, $0xFFFFFFFF, v1  }
0xc6: {  	(xrf0) =	vmin.scan.msk.u32 $0xffff, v1;
	_ =	sdelay $0x5  }
0xc7: {  	v1, _, _ =	vpop (xrf0)  }
0xc8: {  	(v2sf) =	vpush v1, $0xF;
	_ =	sdelay $0xe  }
0xc9: {  	s31 =	spop (v2sf)  }
0xca: {  	s24 =	sxor.u32 $0x80000000, s31  }
0xcb: {  	s23 =	sadd.s32 $0x1, s23;
	v1 =	vmov s24  }
0xcc: {  	p0 =	sne.s32 s23, s9;
	v1 =	vnsel vm0, $0x0, v1  }
.Ltmp5:
0xcd: {  	[tilespmem:$0x8000] =	vst v1;
	(pc) =	sbr.rel @p0 .LBB2_1-.Ltmp5, $4  }
0xce: {  	[hbm4b:s8+s2] =	stream.linear.scatter [tilespmem:s21], [sflag:$0x6], $0x80, $0x38;
	[tilespmem:$0x8080] =	vst v63  }
0xcf: {  	_ =	swait.ge [sflag:s22], $0x80  }
0xd0: {  	[sflag:s22] =	ssyncset.done $0x0  }
0xd1: {  	[sflag:s22] =	ssyncadd.s32 $0xFFFFFF80  }
0xd2: {  	_ =	sfence.sel $0x180000  }
0xd3: {  	[bflag:$0x0] =	sbarrier.arrive $0xFFFF  }
0xd4: {  	p0 =	sne.s32 s1, $0x0;
	_ =	strace $0x90000047  }
0xd5: {  	s0 =	sadd.s32 @!p0 $0x100000, s0;
	[bflag:$0x2] =	sbarrier.arrive $0xFFFF  }
0xd6: {  	[sflag:s0] =	ssyncadd.tile.s32 @!p0 $0x1;
	_ =	shalt  }
.Lfunc_end2:
_tile_overlayer_lowered:
.L_overlay_start_2:
0xd7: {  	(tag) =	ssettag $0x2  }
0xd8: {  	s0 =	rddreg [dreg:$0x0];
	s2 =	stileid.u32  }
0xd9: {  	s1 =	rddreg [dreg:$0x1];
	p0 =	sne.s32 s2, $0x0  }
0xda: {  	s3 =	rddreg [dreg:$0x2];
	[bflag:$0x3] =	sbarrier.arrive $0xFFFF;
	s2 =	simm.s32 @!p0 $0x1C06  }
0xdb: {  	[timem:s3], [sflag:s2] =	dma.local @!p0 [hbm:s0], s1  }
0xdc: {  	s0 =	simm.s32 @!p0 $0x6  }
0xdd: {  	_ =	swait.ge @!p0 [sflag:s0], s1  }
0xde: {  	s1 =	ssub.s32 @!p0 $0x0, s1;
	[sflag:s0] =	ssyncset.done @!p0 $0x0  }
0xdf: {  	[sflag:s0] =	ssyncadd.s32 @!p0 s1  }
0xe0: {  	[bflag:$0x3] =	sbarrier.arrive $0xFFFF  }
0xe1: {  	_ =	shalt  }

</sc_bundles>
